<compile_context>
chip_gen: v7x
topology: tpu7x:2x2x1
jax: 0.10.2.dev20260603
libtpu: 0.0.44.dev20260713+nightly
codegen_flags: <defaults>
</compile_context>

<pallas_src>
import functools

import jax
import jax.numpy as jnp
from jax import lax
from jax.experimental import pallas as pl
from jax.experimental.pallas import tpu as pltpu
from jax.experimental.pallas import tpu_sc as plsc

NC = 2
NS = 16
NW = NC * NS

CH = 128


def kernel(x, weight):
    R, C = x.shape
    D = weight.shape[1]
    B = R * C
    bpw = B // NW
    nch = bpw // CH
    wpr = C // bpw
    assert bpw % CH == 0 and C % bpw == 0

    mesh = plsc.VectorSubcoreMesh(core_axis_name="c", subcore_axis_name="s")
    NBUF = 6

    @functools.partial(
        pl.kernel,
        mesh=mesh,
        out_type=jax.ShapeDtypeStruct((R, C, D), jnp.float32),
        scratch_types=[
            pltpu.VMEM((bpw,), jnp.int32),
            pltpu.VMEM((NBUF, CH, D), jnp.float32),
            pltpu.SemaphoreType.DMA((NBUF,)),
            pltpu.SemaphoreType.DMA((NBUF,)),
        ],
    )
    def k(idx_hbm, table_hbm, out_hbm, idx_v, buf_v, gsems, ssems):
        bufs = [buf_v.at[b] for b in range(NBUF)]
        gsem = [gsems.at[b] for b in range(NBUF)]
        ssem = [ssems.at[b] for b in range(NBUF)]
        wid = lax.axis_index("s") * NC + lax.axis_index("c")
        row = wid // wpr
        col = (wid % wpr) * bpw
        pltpu.sync_copy(idx_hbm.at[row, pl.ds(col, bpw)], idx_v)

        gathers = [None] * nch
        stores = [None] * nch
        for j in range(min(NBUF - 1, nch)):
            gathers[j] = pltpu.async_copy(
                table_hbm.at[idx_v.at[pl.ds(j * CH, CH)]], bufs[j % NBUF],
                gsem[j % NBUF])
        for j in range(nch):
            gathers[j].wait()
            stores[j] = pltpu.async_copy(
                bufs[j % NBUF],
                out_hbm.at[row, pl.ds(col + j * CH, CH)],
                ssem[j % NBUF])
            nxt = j + NBUF - 1
            if nxt < nch:
                prev = nxt - NBUF
                if prev >= 0:
                    stores[prev].wait()
                    stores[prev] = None
                gathers[nxt] = pltpu.async_copy(
                    table_hbm.at[idx_v.at[pl.ds(nxt * CH, CH)]],
                    bufs[nxt % NBUF], gsem[nxt % NBUF])
        for st in stores:
            if st is not None:
                st.wait()

    return k(x, weight)

# --- scband reference (transcript-rebuilt; emitter-appended) ---
"""Pipeline reference for scband-sinusoid-positional-encoding-53635551592921 (READ-ONLY COPY).

The authoritative reference and input builder live on the scoring server;
editing this copy changes nothing except your own understanding.
"""

import jax, jax.numpy as jnp
import numpy as np

NUM_EMBEDDINGS = 32768
EMBEDDING_DIM = 128
BASE = 10000


def _build_weight(num_embeddings=NUM_EMBEDDINGS, embedding_dim=EMBEDDING_DIM, base=BASE):
    # Faithful port of the torch buffer construction.
    scale = embedding_dim ** (-0.5)
    positions = jnp.arange(num_embeddings, dtype=jnp.float32)
    i = jnp.arange(embedding_dim // 2, dtype=jnp.float32)
    freqs = positions[:, None] / (base ** (2.0 * i / embedding_dim))  # [N, D/2]
    # torch: stack([sin, cos]) -> [2, N, D/2]; permute(1,2,0) -> [N, D/2, 2]; view(N, D)
    weight = jnp.stack([jnp.sin(freqs), jnp.cos(freqs)], axis=-1).reshape(num_embeddings, embedding_dim)
    return weight * scale


def setup_inputs(seed: int = 0) -> dict:
    key = jax.random.key(seed)
    x = jax.random.randint(key, (4, 8192), 0, NUM_EMBEDDINGS, dtype=jnp.int32)
    weight = _build_weight()
    return {"x": x, "weight": weight}


def reference(x, weight):
    # forward: self.weight[x]  (gather rows of the sinusoid table)
    return jnp.take(weight, x, axis=0)

if __name__ == "__main__":
    import jax
    _d = setup_inputs()
    print(jax.jit(kernel)(*tuple(_d.values())))

</pallas_src>

<mosaic_0001>
#map = affine_map<(d0, d1) -> (0, 0)>
#map1 = affine_map<(d0, d1) -> (0, 0, 0)>
module attributes {stable_mosaic.version = 14 : i64} {
  func.func @k(%arg0: i32, %arg1: i32, %arg2: memref<4x8192xi32, #tpu.memory_space<hbm>>, %arg3: memref<32768x128xf32, #tpu.memory_space<hbm>>, %arg4: memref<4x8192x128xf32, #tpu.memory_space<hbm>>, %arg5: memref<1024xi32, #tpu.memory_space<vmem>>, %arg6: memref<6x128x128xf32, #tpu.memory_space<vmem>>, %arg7: memref<6x!tpu.dma_semaphore, #tpu.memory_space<semaphore_mem>>, %arg8: memref<6x!tpu.dma_semaphore, #tpu.memory_space<semaphore_mem>>) attributes {dimension_semantics = [#tpu.dimension_semantics<core_parallel>, #tpu.dimension_semantics<subcore_parallel>], iteration_bounds = array<i64: 2, 16>, scalar_prefetch = 0 : i64, scratch_operands = 4 : i64, tpu.core_type = #tpu.core_type<sc_vector_subcore>, window_params = [{transform_indices = #map}, {transform_indices = #map}, {transform_indices = #map1}]} {
    %mul3A = arith.constant 2 : i32
    %mul3A_0 = arith.muli %arg1, %mul3A : i32
    %add3A = arith.addi %mul3A_0, %arg0 : i32
    %jit3A = arith.constant 8 : i32
    %div3A = arith.divsi %add3A, %jit3A : i32
    %sign3A = arith.constant 0 : i32
    %sign3A_1 = arith.cmpi sgt, %add3A, %sign3A : i32
    %sign3A_2 = arith.extui %sign3A_1 : i1 to i32
    %sign3A_3 = arith.constant 0 : i32
    %sign3A_4 = arith.cmpi slt, %add3A, %sign3A_3 : i32
    %sign3A_5 = arith.extui %sign3A_4 : i1 to i32
    %sign3A_6 = arith.subi %sign3A_2, %sign3A_5 : i32
    %sign3A_7 = arith.constant 0 : i32
    %sign3A_8 = arith.cmpi sgt, %jit3A, %sign3A_7 : i32
    %sign3A_9 = arith.extui %sign3A_8 : i1 to i32
    %sign3A_10 = arith.constant 0 : i32
    %sign3A_11 = arith.cmpi slt, %jit3A, %sign3A_10 : i32
    %sign3A_12 = arith.extui %sign3A_11 : i1 to i32
    %sign3A_13 = arith.subi %sign3A_9, %sign3A_12 : i32
    %ne3A = arith.cmpi ne, %sign3A_6, %sign3A_13 : i32
    %rem3A = arith.remsi %add3A, %jit3A : i32
    %ne3A_14 = arith.constant 0 : i32
    %ne3A_15 = arith.cmpi ne, %rem3A, %ne3A_14 : i32
    %and3A = arith.andi %ne3A, %ne3A_15 : i1
    %sub3A = arith.constant 1 : i32
    %sub3A_16 = arith.subi %div3A, %sub3A : i32
    %select_n3A = arith.select %and3A, %sub3A_16, %div3A : i32
    %jit3A_17 = arith.constant 8 : i32
    %eq3A = arith.constant 0 : i32
    %eq3A_18 = arith.cmpi eq, %jit3A_17, %eq3A : i32
    %jit3A_19 = arith.constant 1 : i32
    %select_n3A_20 = arith.select %eq3A_18, %jit3A_19, %jit3A_17 : i32
    %rem3A_21 = arith.remsi %add3A, %select_n3A_20 : i32
    %ne3A_22 = arith.constant 0 : i32
    %ne3A_23 = arith.cmpi ne, %rem3A_21, %ne3A_22 : i32
    %lt3A = arith.constant 0 : i32
    %lt3A_24 = arith.cmpi slt, %rem3A_21, %lt3A : i32
    %lt3A_25 = arith.constant 0 : i32
    %lt3A_26 = arith.cmpi slt, %select_n3A_20, %lt3A_25 : i32
    %ne3A_27 = arith.xori %lt3A_24, %lt3A_26 : i1
    %and3A_28 = arith.andi %ne3A_27, %ne3A_23 : i1
    %add3A_29 = arith.addi %rem3A_21, %select_n3A_20 : i32
    %select_n3A_30 = arith.select %and3A_28, %add3A_29, %rem3A_21 : i32
    %mul3A_31 = arith.constant 1024 : i32
    %mul3A_32 = arith.muli %select_n3A_30, %mul3A_31 : i32
    "tpu.region"() ({
      %run_scoped3A = tpu.sem_alloc : memref<!tpu.dma_semaphore, #tpu.memory_space<semaphore_mem>>
      %dma_start3A_543 = tpu.memref_slice %arg2[%select_n3A, %mul3A_32] : memref<4x8192xi32, #tpu.memory_space<hbm>> -> memref<1x1024xi32, #tpu.memory_space<hbm>>
      %dma_start3A_544 = tpu.memref_squeeze %dma_start3A_543 : memref<1x1024xi32, #tpu.memory_space<hbm>> -> memref<1024xi32, #tpu.memory_space<hbm>>
      %dma_start3A_545 = tpu.memref_slice %arg2[%select_n3A, %mul3A_32] : memref<4x8192xi32, #tpu.memory_space<hbm>> -> memref<1x1024xi32, #tpu.memory_space<hbm>>
      %dma_start3A_546 = tpu.memref_squeeze %dma_start3A_545 : memref<1x1024xi32, #tpu.memory_space<hbm>> -> memref<1024xi32, #tpu.memory_space<hbm>>
      tpu.enqueue_dma source(%dma_start3A_546 : memref<1024xi32, #tpu.memory_space<hbm>>) target(%arg5 : memref<1024xi32, #tpu.memory_space<vmem>>) target_semaphore(%run_scoped3A : memref<!tpu.dma_semaphore, #tpu.memory_space<semaphore_mem>>)
      %dma_wait3A_547 = tpu.memref_slice %arg2[%select_n3A, %mul3A_32] : memref<4x8192xi32, #tpu.memory_space<hbm>> -> memref<1x1024xi32, #tpu.memory_space<hbm>>
      %dma_wait3A_548 = tpu.memref_squeeze %dma_wait3A_547 : memref<1x1024xi32, #tpu.memory_space<hbm>> -> memref<1024xi32, #tpu.memory_space<hbm>>
      %dma_wait3A_549 = tpu.memref_slice %arg2[%select_n3A, %mul3A_32] : memref<4x8192xi32, #tpu.memory_space<hbm>> -> memref<1x1024xi32, #tpu.memory_space<hbm>>
      %dma_wait3A_550 = tpu.memref_squeeze %dma_wait3A_549 : memref<1x1024xi32, #tpu.memory_space<hbm>> -> memref<1024xi32, #tpu.memory_space<hbm>>
      tpu.wait_dma2 semaphore(%run_scoped3A : memref<!tpu.dma_semaphore, #tpu.memory_space<semaphore_mem>>) src(%dma_wait3A_550 : memref<1024xi32, #tpu.memory_space<hbm>>) dst(%arg5 : memref<1024xi32, #tpu.memory_space<vmem>>)
      tpu.yield
    }) : () -> ()
    %dma_start3A = arith.constant 0 : i32
    %dma_start3A_33 = arith.constant 0 : i32
    %dma_start3A_34 = arith.constant 0 : i32
    %dma_start3A_35 = arith.constant 0 : i32
    %dma_start3A_36 = tpu.memref_slice %arg6[%dma_start3A, %dma_start3A_34, %dma_start3A_35] : memref<6x128x128xf32, #tpu.memory_space<vmem>> -> memref<1x128x128xf32, #tpu.memory_space<vmem>>
    %dma_start3A_37 = tpu.memref_squeeze %dma_start3A_36 : memref<1x128x128xf32, #tpu.memory_space<vmem>> -> memref<128x128xf32, #tpu.memory_space<vmem>>
    %dma_start3A_38 = arith.constant 0 : i32
    %dma_start3A_39 = tpu.memref_slice %arg5[%dma_start3A_38] : memref<1024xi32, #tpu.memory_space<vmem>> -> memref<128xi32, #tpu.memory_space<vmem>>
    %dma_start3A_40 = arith.constant 0 : i32
    %dma_start3A_41 = arith.constant 0 : i32
    %dma_start3A_42 = tpu.memref_slice %arg3[%dma_start3A_40, %dma_start3A_41] : memref<32768x128xf32, #tpu.memory_space<hbm>> -> memref<32768x128xf32, #tpu.memory_space<hbm>>
    %dma_start3A_43 = tpu.memref_slice %arg7[%dma_start3A_33] : memref<6x!tpu.dma_semaphore, #tpu.memory_space<semaphore_mem>> -> memref<1x!tpu.dma_semaphore, #tpu.memory_space<semaphore_mem>>
    %dma_start3A_44 = tpu.memref_squeeze %dma_start3A_43 : memref<1x!tpu.dma_semaphore, #tpu.memory_space<semaphore_mem>> -> memref<!tpu.dma_semaphore, #tpu.memory_space<semaphore_mem>>
    tpu.enqueue_indirect_dma source(%dma_start3A_42 : memref<32768x128xf32, #tpu.memory_space<hbm>>) target(%dma_start3A_37 : memref<128x128xf32, #tpu.memory_space<vmem>>) offsets(%dma_start3A_39 : memref<128xi32, #tpu.memory_space<vmem>>) semaphore(%dma_start3A_44 : memref<!tpu.dma_semaphore, #tpu.memory_space<semaphore_mem>>)
    %dma_start3A_45 = arith.constant 1 : i32
    %dma_start3A_46 = arith.constant 1 : i32
    %dma_start3A_47 = arith.constant 0 : i32
    %dma_start3A_48 = arith.constant 0 : i32
    %dma_start3A_49 = tpu.memref_slice %arg6[%dma_start3A_45, %dma_start3A_47, %dma_start3A_48] : memref<6x128x128xf32, #tpu.memory_space<vmem>> -> memref<1x128x128xf32, #tpu.memory_space<vmem>>
    %dma_start3A_50 = tpu.memref_squeeze %dma_start3A_49 : memref<1x128x128xf32, #tpu.memory_space<vmem>> -> memref<128x128xf32, #tpu.memory_space<vmem>>
    %dma_start3A_51 = arith.constant 128 : i32
    %dma_start3A_52 = tpu.memref_slice %arg5[%dma_start3A_51] : memref<1024xi32, #tpu.memory_space<vmem>> -> memref<128xi32, #tpu.memory_space<vmem>>
    %dma_start3A_53 = arith.constant 0 : i32
    %dma_start3A_54 = arith.constant 0 : i32
    %dma_start3A_55 = tpu.memref_slice %arg3[%dma_start3A_53, %dma_start3A_54] : memref<32768x128xf32, #tpu.memory_space<hbm>> -> memref<32768x128xf32, #tpu.memory_space<hbm>>
    %dma_start3A_56 = tpu.memref_slice %arg7[%dma_start3A_46] : memref<6x!tpu.dma_semaphore, #tpu.memory_space<semaphore_mem>> -> memref<1x!tpu.dma_semaphore, #tpu.memory_space<semaphore_mem>>
    %dma_start3A_57 = tpu.memref_squeeze %dma_start3A_56 : memref<1x!tpu.dma_semaphore, #tpu.memory_space<semaphore_mem>> -> memref<!tpu.dma_semaphore, #tpu.memory_space<semaphore_mem>>
    tpu.enqueue_indirect_dma source(%dma_start3A_55 : memref<32768x128xf32, #tpu.memory_space<hbm>>) target(%dma_start3A_50 : memref<128x128xf32, #tpu.memory_space<vmem>>) offsets(%dma_start3A_52 : memref<128xi32, #tpu.memory_space<vmem>>) semaphore(%dma_start3A_57 : memref<!tpu.dma_semaphore, #tpu.memory_space<semaphore_mem>>)
    %dma_start3A_58 = arith.constant 2 : i32
    %dma_start3A_59 = arith.constant 2 : i32
    %dma_start3A_60 = arith.constant 0 : i32
    %dma_start3A_61 = arith.constant 0 : i32
    %dma_start3A_62 = tpu.memref_slice %arg6[%dma_start3A_58, %dma_start3A_60, %dma_start3A_61] : memref<6x128x128xf32, #tpu.memory_space<vmem>> -> memref<1x128x128xf32, #tpu.memory_space<vmem>>
    %dma_start3A_63 = tpu.memref_squeeze %dma_start3A_62 : memref<1x128x128xf32, #tpu.memory_space<vmem>> -> memref<128x128xf32, #tpu.memory_space<vmem>>
    %dma_start3A_64 = arith.constant 256 : i32
    %dma_start3A_65 = tpu.memref_slice %arg5[%dma_start3A_64] : memref<1024xi32, #tpu.memory_space<vmem>> -> memref<128xi32, #tpu.memory_space<vmem>>
    %dma_start3A_66 = arith.constant 0 : i32
    %dma_start3A_67 = arith.constant 0 : i32
    %dma_start3A_68 = tpu.memref_slice %arg3[%dma_start3A_66, %dma_start3A_67] : memref<32768x128xf32, #tpu.memory_space<hbm>> -> memref<32768x128xf32, #tpu.memory_space<hbm>>
    %dma_start3A_69 = tpu.memref_slice %arg7[%dma_start3A_59] : memref<6x!tpu.dma_semaphore, #tpu.memory_space<semaphore_mem>> -> memref<1x!tpu.dma_semaphore, #tpu.memory_space<semaphore_mem>>
    %dma_start3A_70 = tpu.memref_squeeze %dma_start3A_69 : memref<1x!tpu.dma_semaphore, #tpu.memory_space<semaphore_mem>> -> memref<!tpu.dma_semaphore, #tpu.memory_space<semaphore_mem>>
    tpu.enqueue_indirect_dma source(%dma_start3A_68 : memref<32768x128xf32, #tpu.memory_space<hbm>>) target(%dma_start3A_63 : memref<128x128xf32, #tpu.memory_space<vmem>>) offsets(%dma_start3A_65 : memref<128xi32, #tpu.memory_space<vmem>>) semaphore(%dma_start3A_70 : memref<!tpu.dma_semaphore, #tpu.memory_space<semaphore_mem>>)
    %dma_start3A_71 = arith.constant 3 : i32
    %dma_start3A_72 = arith.constant 3 : i32
    %dma_start3A_73 = arith.constant 0 : i32
    %dma_start3A_74 = arith.constant 0 : i32
    %dma_start3A_75 = tpu.memref_slice %arg6[%dma_start3A_71, %dma_start3A_73, %dma_start3A_74] : memref<6x128x128xf32, #tpu.memory_space<vmem>> -> memref<1x128x128xf32, #tpu.memory_space<vmem>>
    %dma_start3A_76 = tpu.memref_squeeze %dma_start3A_75 : memref<1x128x128xf32, #tpu.memory_space<vmem>> -> memref<128x128xf32, #tpu.memory_space<vmem>>
    %dma_start3A_77 = arith.constant 384 : i32
    %dma_start3A_78 = tpu.memref_slice %arg5[%dma_start3A_77] : memref<1024xi32, #tpu.memory_space<vmem>> -> memref<128xi32, #tpu.memory_space<vmem>>
    %dma_start3A_79 = arith.constant 0 : i32
    %dma_start3A_80 = arith.constant 0 : i32
    %dma_start3A_81 = tpu.memref_slice %arg3[%dma_start3A_79, %dma_start3A_80] : memref<32768x128xf32, #tpu.memory_space<hbm>> -> memref<32768x128xf32, #tpu.memory_space<hbm>>
    %dma_start3A_82 = tpu.memref_slice %arg7[%dma_start3A_72] : memref<6x!tpu.dma_semaphore, #tpu.memory_space<semaphore_mem>> -> memref<1x!tpu.dma_semaphore, #tpu.memory_space<semaphore_mem>>
    %dma_start3A_83 = tpu.memref_squeeze %dma_start3A_82 : memref<1x!tpu.dma_semaphore, #tpu.memory_space<semaphore_mem>> -> memref<!tpu.dma_semaphore, #tpu.memory_space<semaphore_mem>>
    tpu.enqueue_indirect_dma source(%dma_start3A_81 : memref<32768x128xf32, #tpu.memory_space<hbm>>) target(%dma_start3A_76 : memref<128x128xf32, #tpu.memory_space<vmem>>) offsets(%dma_start3A_78 : memref<128xi32, #tpu.memory_space<vmem>>) semaphore(%dma_start3A_83 : memref<!tpu.dma_semaphore, #tpu.memory_space<semaphore_mem>>)
    %dma_start3A_84 = arith.constant 4 : i32
    %dma_start3A_85 = arith.constant 4 : i32
    %dma_start3A_86 = arith.constant 0 : i32
    %dma_start3A_87 = arith.constant 0 : i32
    %dma_start3A_88 = tpu.memref_slice %arg6[%dma_start3A_84, %dma_start3A_86, %dma_start3A_87] : memref<6x128x128xf32, #tpu.memory_space<vmem>> -> memref<1x128x128xf32, #tpu.memory_space<vmem>>
    %dma_start3A_89 = tpu.memref_squeeze %dma_start3A_88 : memref<1x128x128xf32, #tpu.memory_space<vmem>> -> memref<128x128xf32, #tpu.memory_space<vmem>>
    %dma_start3A_90 = arith.constant 512 : i32
    %dma_start3A_91 = tpu.memref_slice %arg5[%dma_start3A_90] : memref<1024xi32, #tpu.memory_space<vmem>> -> memref<128xi32, #tpu.memory_space<vmem>>
    %dma_start3A_92 = arith.constant 0 : i32
    %dma_start3A_93 = arith.constant 0 : i32
    %dma_start3A_94 = tpu.memref_slice %arg3[%dma_start3A_92, %dma_start3A_93] : memref<32768x128xf32, #tpu.memory_space<hbm>> -> memref<32768x128xf32, #tpu.memory_space<hbm>>
    %dma_start3A_95 = tpu.memref_slice %arg7[%dma_start3A_85] : memref<6x!tpu.dma_semaphore, #tpu.memory_space<semaphore_mem>> -> memref<1x!tpu.dma_semaphore, #tpu.memory_space<semaphore_mem>>
    %dma_start3A_96 = tpu.memref_squeeze %dma_start3A_95 : memref<1x!tpu.dma_semaphore, #tpu.memory_space<semaphore_mem>> -> memref<!tpu.dma_semaphore, #tpu.memory_space<semaphore_mem>>
    tpu.enqueue_indirect_dma source(%dma_start3A_94 : memref<32768x128xf32, #tpu.memory_space<hbm>>) target(%dma_start3A_89 : memref<128x128xf32, #tpu.memory_space<vmem>>) offsets(%dma_start3A_91 : memref<128xi32, #tpu.memory_space<vmem>>) semaphore(%dma_start3A_96 : memref<!tpu.dma_semaphore, #tpu.memory_space<semaphore_mem>>)
    %dma_wait3A = arith.constant 0 : i32
    %dma_wait3A_97 = arith.constant 0 : i32
    %dma_wait3A_98 = arith.constant 0 : i32
    %dma_wait3A_99 = arith.constant 0 : i32
    %dma_wait3A_100 = tpu.memref_slice %arg6[%dma_wait3A, %dma_wait3A_98, %dma_wait3A_99] : memref<6x128x128xf32, #tpu.memory_space<vmem>> -> memref<1x128x128xf32, #tpu.memory_space<vmem>>
    %dma_wait3A_101 = tpu.memref_squeeze %dma_wait3A_100 : memref<1x128x128xf32, #tpu.memory_space<vmem>> -> memref<128x128xf32, #tpu.memory_space<vmem>>
    %dma_wait3A_102 = arith.constant 0 : i32
    %dma_wait3A_103 = tpu.memref_slice %arg5[%dma_wait3A_102] : memref<1024xi32, #tpu.memory_space<vmem>> -> memref<128xi32, #tpu.memory_space<vmem>>
    %dma_wait3A_104 = arith.constant 0 : i32
    %dma_wait3A_105 = arith.constant 0 : i32
    %dma_wait3A_106 = tpu.memref_slice %arg3[%dma_wait3A_104, %dma_wait3A_105] : memref<32768x128xf32, #tpu.memory_space<hbm>> -> memref<32768x128xf32, #tpu.memory_space<hbm>>
    %dma_wait3A_107 = tpu.memref_slice %arg7[%dma_wait3A_97] : memref<6x!tpu.dma_semaphore, #tpu.memory_space<semaphore_mem>> -> memref<1x!tpu.dma_semaphore, #tpu.memory_space<semaphore_mem>>
    %dma_wait3A_108 = tpu.memref_squeeze %dma_wait3A_107 : memref<1x!tpu.dma_semaphore, #tpu.memory_space<semaphore_mem>> -> memref<!tpu.dma_semaphore, #tpu.memory_space<semaphore_mem>>
    tpu.wait_indirect_dma semaphore(%dma_wait3A_108 : memref<!tpu.dma_semaphore, #tpu.memory_space<semaphore_mem>>) src(%dma_wait3A_106 : memref<32768x128xf32, #tpu.memory_space<hbm>>) dst(%dma_wait3A_101 : memref<128x128xf32, #tpu.memory_space<vmem>>)
    %add3A_109 = arith.constant 0 : i32
    %add3A_110 = arith.addi %mul3A_32, %add3A_109 : i32
    %dma_start3A_111 = arith.constant 0 : i32
    %dma_start3A_112 = arith.constant 0 : i32
    %dma_start3A_113 = arith.constant 0 : i32
    %dma_start3A_114 = arith.constant 0 : i32
    %dma_start3A_115 = tpu.memref_slice %arg6[%dma_start3A_111, %dma_start3A_113, %dma_start3A_114] : memref<6x128x128xf32, #tpu.memory_space<vmem>> -> memref<1x128x128xf32, #tpu.memory_space<vmem>>
    %dma_start3A_116 = tpu.memref_squeeze %dma_start3A_115 : memref<1x128x128xf32, #tpu.memory_space<vmem>> -> memref<128x128xf32, #tpu.memory_space<vmem>>
    %dma_start3A_117 = arith.constant 0 : i32
    %dma_start3A_118 = tpu.memref_slice %arg4[%select_n3A, %add3A_110, %dma_start3A_117] : memref<4x8192x128xf32, #tpu.memory_space<hbm>> -> memref<1x128x128xf32, #tpu.memory_space<hbm>>
    %dma_start3A_119 = tpu.memref_squeeze %dma_start3A_118 : memref<1x128x128xf32, #tpu.memory_space<hbm>> -> memref<128x128xf32, #tpu.memory_space<hbm>>
    %dma_start3A_120 = tpu.memref_slice %arg8[%dma_start3A_112] : memref<6x!tpu.dma_semaphore, #tpu.memory_space<semaphore_mem>> -> memref<1x!tpu.dma_semaphore, #tpu.memory_space<semaphore_mem>>
    %dma_start3A_121 = tpu.memref_squeeze %dma_start3A_120 : memref<1x!tpu.dma_semaphore, #tpu.memory_space<semaphore_mem>> -> memref<!tpu.dma_semaphore, #tpu.memory_space<semaphore_mem>>
    %dma_start3A_122 = arith.constant 0 : i32
    %dma_start3A_123 = tpu.memref_slice %arg4[%select_n3A, %add3A_110, %dma_start3A_122] : memref<4x8192x128xf32, #tpu.memory_space<hbm>> -> memref<1x128x128xf32, #tpu.memory_space<hbm>>
    %dma_start3A_124 = tpu.memref_squeeze %dma_start3A_123 : memref<1x128x128xf32, #tpu.memory_space<hbm>> -> memref<128x128xf32, #tpu.memory_space<hbm>>
    %dma_start3A_125 = arith.constant 0 : i32
    %dma_start3A_126 = arith.constant 0 : i32
    %dma_start3A_127 = tpu.memref_slice %arg6[%dma_start3A_111, %dma_start3A_125, %dma_start3A_126] : memref<6x128x128xf32, #tpu.memory_space<vmem>> -> memref<1x128x128xf32, #tpu.memory_space<vmem>>
    %dma_start3A_128 = tpu.memref_squeeze %dma_start3A_127 : memref<1x128x128xf32, #tpu.memory_space<vmem>> -> memref<128x128xf32, #tpu.memory_space<vmem>>
    tpu.enqueue_dma source(%dma_start3A_128 : memref<128x128xf32, #tpu.memory_space<vmem>>) target(%dma_start3A_124 : memref<128x128xf32, #tpu.memory_space<hbm>>) target_semaphore(%dma_start3A_121 : memref<!tpu.dma_semaphore, #tpu.memory_space<semaphore_mem>>)
    %dma_start3A_129 = arith.constant 5 : i32
    %dma_start3A_130 = arith.constant 5 : i32
    %dma_start3A_131 = arith.constant 0 : i32
    %dma_start3A_132 = arith.constant 0 : i32
    %dma_start3A_133 = tpu.memref_slice %arg6[%dma_start3A_129, %dma_start3A_131, %dma_start3A_132] : memref<6x128x128xf32, #tpu.memory_space<vmem>> -> memref<1x128x128xf32, #tpu.memory_space<vmem>>
    %dma_start3A_134 = tpu.memref_squeeze %dma_start3A_133 : memref<1x128x128xf32, #tpu.memory_space<vmem>> -> memref<128x128xf32, #tpu.memory_space<vmem>>
    %dma_start3A_135 = arith.constant 640 : i32
    %dma_start3A_136 = tpu.memref_slice %arg5[%dma_start3A_135] : memref<1024xi32, #tpu.memory_space<vmem>> -> memref<128xi32, #tpu.memory_space<vmem>>
    %dma_start3A_137 = arith.constant 0 : i32
    %dma_start3A_138 = arith.constant 0 : i32
    %dma_start3A_139 = tpu.memref_slice %arg3[%dma_start3A_137, %dma_start3A_138] : memref<32768x128xf32, #tpu.memory_space<hbm>> -> memref<32768x128xf32, #tpu.memory_space<hbm>>
    %dma_start3A_140 = tpu.memref_slice %arg7[%dma_start3A_130] : memref<6x!tpu.dma_semaphore, #tpu.memory_space<semaphore_mem>> -> memref<1x!tpu.dma_semaphore, #tpu.memory_space<semaphore_mem>>
    %dma_start3A_141 = tpu.memref_squeeze %dma_start3A_140 : memref<1x!tpu.dma_semaphore, #tpu.memory_space<semaphore_mem>> -> memref<!tpu.dma_semaphore, #tpu.memory_space<semaphore_mem>>
    tpu.enqueue_indirect_dma source(%dma_start3A_139 : memref<32768x128xf32, #tpu.memory_space<hbm>>) target(%dma_start3A_134 : memref<128x128xf32, #tpu.memory_space<vmem>>) offsets(%dma_start3A_136 : memref<128xi32, #tpu.memory_space<vmem>>) semaphore(%dma_start3A_141 : memref<!tpu.dma_semaphore, #tpu.memory_space<semaphore_mem>>)
    %dma_wait3A_142 = arith.constant 1 : i32
    %dma_wait3A_143 = arith.constant 1 : i32
    %dma_wait3A_144 = arith.constant 0 : i32
    %dma_wait3A_145 = arith.constant 0 : i32
    %dma_wait3A_146 = tpu.memref_slice %arg6[%dma_wait3A_142, %dma_wait3A_144, %dma_wait3A_145] : memref<6x128x128xf32, #tpu.memory_space<vmem>> -> memref<1x128x128xf32, #tpu.memory_space<vmem>>
    %dma_wait3A_147 = tpu.memref_squeeze %dma_wait3A_146 : memref<1x128x128xf32, #tpu.memory_space<vmem>> -> memref<128x128xf32, #tpu.memory_space<vmem>>
    %dma_wait3A_148 = arith.constant 128 : i32
    %dma_wait3A_149 = tpu.memref_slice %arg5[%dma_wait3A_148] : memref<1024xi32, #tpu.memory_space<vmem>> -> memref<128xi32, #tpu.memory_space<vmem>>
    %dma_wait3A_150 = arith.constant 0 : i32
    %dma_wait3A_151 = arith.constant 0 : i32
    %dma_wait3A_152 = tpu.memref_slice %arg3[%dma_wait3A_150, %dma_wait3A_151] : memref<32768x128xf32, #tpu.memory_space<hbm>> -> memref<32768x128xf32, #tpu.memory_space<hbm>>
    %dma_wait3A_153 = tpu.memref_slice %arg7[%dma_wait3A_143] : memref<6x!tpu.dma_semaphore, #tpu.memory_space<semaphore_mem>> -> memref<1x!tpu.dma_semaphore, #tpu.memory_space<semaphore_mem>>
    %dma_wait3A_154 = tpu.memref_squeeze %dma_wait3A_153 : memref<1x!tpu.dma_semaphore, #tpu.memory_space<semaphore_mem>> -> memref<!tpu.dma_semaphore, #tpu.memory_space<semaphore_mem>>
    tpu.wait_indirect_dma semaphore(%dma_wait3A_154 : memref<!tpu.dma_semaphore, #tpu.memory_space<semaphore_mem>>) src(%dma_wait3A_152 : memref<32768x128xf32, #tpu.memory_space<hbm>>) dst(%dma_wait3A_147 : memref<128x128xf32, #tpu.memory_space<vmem>>)
    %add3A_155 = arith.constant 128 : i32
    %add3A_156 = arith.addi %mul3A_32, %add3A_155 : i32
    %dma_start3A_157 = arith.constant 1 : i32
    %dma_start3A_158 = arith.constant 1 : i32
    %dma_start3A_159 = arith.constant 0 : i32
    %dma_start3A_160 = arith.constant 0 : i32
    %dma_start3A_161 = tpu.memref_slice %arg6[%dma_start3A_157, %dma_start3A_159, %dma_start3A_160] : memref<6x128x128xf32, #tpu.memory_space<vmem>> -> memref<1x128x128xf32, #tpu.memory_space<vmem>>
    %dma_start3A_162 = tpu.memref_squeeze %dma_start3A_161 : memref<1x128x128xf32, #tpu.memory_space<vmem>> -> memref<128x128xf32, #tpu.memory_space<vmem>>
    %dma_start3A_163 = arith.constant 0 : i32
    %dma_start3A_164 = tpu.memref_slice %arg4[%select_n3A, %add3A_156, %dma_start3A_163] : memref<4x8192x128xf32, #tpu.memory_space<hbm>> -> memref<1x128x128xf32, #tpu.memory_space<hbm>>
    %dma_start3A_165 = tpu.memref_squeeze %dma_start3A_164 : memref<1x128x128xf32, #tpu.memory_space<hbm>> -> memref<128x128xf32, #tpu.memory_space<hbm>>
    %dma_start3A_166 = tpu.memref_slice %arg8[%dma_start3A_158] : memref<6x!tpu.dma_semaphore, #tpu.memory_space<semaphore_mem>> -> memref<1x!tpu.dma_semaphore, #tpu.memory_space<semaphore_mem>>
    %dma_start3A_167 = tpu.memref_squeeze %dma_start3A_166 : memref<1x!tpu.dma_semaphore, #tpu.memory_space<semaphore_mem>> -> memref<!tpu.dma_semaphore, #tpu.memory_space<semaphore_mem>>
    %dma_start3A_168 = arith.constant 0 : i32
    %dma_start3A_169 = tpu.memref_slice %arg4[%select_n3A, %add3A_156, %dma_start3A_168] : memref<4x8192x128xf32, #tpu.memory_space<hbm>> -> memref<1x128x128xf32, #tpu.memory_space<hbm>>
    %dma_start3A_170 = tpu.memref_squeeze %dma_start3A_169 : memref<1x128x128xf32, #tpu.memory_space<hbm>> -> memref<128x128xf32, #tpu.memory_space<hbm>>
    %dma_start3A_171 = arith.constant 0 : i32
    %dma_start3A_172 = arith.constant 0 : i32
    %dma_start3A_173 = tpu.memref_slice %arg6[%dma_start3A_157, %dma_start3A_171, %dma_start3A_172] : memref<6x128x128xf32, #tpu.memory_space<vmem>> -> memref<1x128x128xf32, #tpu.memory_space<vmem>>
    %dma_start3A_174 = tpu.memref_squeeze %dma_start3A_173 : memref<1x128x128xf32, #tpu.memory_space<vmem>> -> memref<128x128xf32, #tpu.memory_space<vmem>>
    tpu.enqueue_dma source(%dma_start3A_174 : memref<128x128xf32, #tpu.memory_space<vmem>>) target(%dma_start3A_170 : memref<128x128xf32, #tpu.memory_space<hbm>>) target_semaphore(%dma_start3A_167 : memref<!tpu.dma_semaphore, #tpu.memory_space<semaphore_mem>>)
    %dma_wait3A_175 = arith.constant 0 : i32
    %dma_wait3A_176 = arith.constant 0 : i32
    %dma_wait3A_177 = arith.constant 0 : i32
    %dma_wait3A_178 = arith.constant 0 : i32
    %dma_wait3A_179 = tpu.memref_slice %arg6[%dma_wait3A_175, %dma_wait3A_177, %dma_wait3A_178] : memref<6x128x128xf32, #tpu.memory_space<vmem>> -> memref<1x128x128xf32, #tpu.memory_space<vmem>>
    %dma_wait3A_180 = tpu.memref_squeeze %dma_wait3A_179 : memref<1x128x128xf32, #tpu.memory_space<vmem>> -> memref<128x128xf32, #tpu.memory_space<vmem>>
    %dma_wait3A_181 = arith.constant 0 : i32
    %dma_wait3A_182 = tpu.memref_slice %arg4[%select_n3A, %add3A_110, %dma_wait3A_181] : memref<4x8192x128xf32, #tpu.memory_space<hbm>> -> memref<1x128x128xf32, #tpu.memory_space<hbm>>
    %dma_wait3A_183 = tpu.memref_squeeze %dma_wait3A_182 : memref<1x128x128xf32, #tpu.memory_space<hbm>> -> memref<128x128xf32, #tpu.memory_space<hbm>>
    %dma_wait3A_184 = tpu.memref_slice %arg8[%dma_wait3A_176] : memref<6x!tpu.dma_semaphore, #tpu.memory_space<semaphore_mem>> -> memref<1x!tpu.dma_semaphore, #tpu.memory_space<semaphore_mem>>
    %dma_wait3A_185 = tpu.memref_squeeze %dma_wait3A_184 : memref<1x!tpu.dma_semaphore, #tpu.memory_space<semaphore_mem>> -> memref<!tpu.dma_semaphore, #tpu.memory_space<semaphore_mem>>
    %dma_wait3A_186 = arith.constant 0 : i32
    %dma_wait3A_187 = tpu.memref_slice %arg4[%select_n3A, %add3A_110, %dma_wait3A_186] : memref<4x8192x128xf32, #tpu.memory_space<hbm>> -> memref<1x128x128xf32, #tpu.memory_space<hbm>>
    %dma_wait3A_188 = tpu.memref_squeeze %dma_wait3A_187 : memref<1x128x128xf32, #tpu.memory_space<hbm>> -> memref<128x128xf32, #tpu.memory_space<hbm>>
    %dma_wait3A_189 = arith.constant 0 : i32
    %dma_wait3A_190 = arith.constant 0 : i32
    %dma_wait3A_191 = tpu.memref_slice %arg6[%dma_wait3A_175, %dma_wait3A_189, %dma_wait3A_190] : memref<6x128x128xf32, #tpu.memory_space<vmem>> -> memref<1x128x128xf32, #tpu.memory_space<vmem>>
    %dma_wait3A_192 = tpu.memref_squeeze %dma_wait3A_191 : memref<1x128x128xf32, #tpu.memory_space<vmem>> -> memref<128x128xf32, #tpu.memory_space<vmem>>
    tpu.wait_dma2 semaphore(%dma_wait3A_185 : memref<!tpu.dma_semaphore, #tpu.memory_space<semaphore_mem>>) src(%dma_wait3A_192 : memref<128x128xf32, #tpu.memory_space<vmem>>) dst(%dma_wait3A_188 : memref<128x128xf32, #tpu.memory_space<hbm>>)
    %dma_start3A_193 = arith.constant 0 : i32
    %dma_start3A_194 = arith.constant 0 : i32
    %dma_start3A_195 = arith.constant 0 : i32
    %dma_start3A_196 = arith.constant 0 : i32
    %dma_start3A_197 = tpu.memref_slice %arg6[%dma_start3A_193, %dma_start3A_195, %dma_start3A_196] : memref<6x128x128xf32, #tpu.memory_space<vmem>> -> memref<1x128x128xf32, #tpu.memory_space<vmem>>
    %dma_start3A_198 = tpu.memref_squeeze %dma_start3A_197 : memref<1x128x128xf32, #tpu.memory_space<vmem>> -> memref<128x128xf32, #tpu.memory_space<vmem>>
    %dma_start3A_199 = arith.constant 768 : i32
    %dma_start3A_200 = tpu.memref_slice %arg5[%dma_start3A_199] : memref<1024xi32, #tpu.memory_space<vmem>> -> memref<128xi32, #tpu.memory_space<vmem>>
    %dma_start3A_201 = arith.constant 0 : i32
    %dma_start3A_202 = arith.constant 0 : i32
    %dma_start3A_203 = tpu.memref_slice %arg3[%dma_start3A_201, %dma_start3A_202] : memref<32768x128xf32, #tpu.memory_space<hbm>> -> memref<32768x128xf32, #tpu.memory_space<hbm>>
    %dma_start3A_204 = tpu.memref_slice %arg7[%dma_start3A_194] : memref<6x!tpu.dma_semaphore, #tpu.memory_space<semaphore_mem>> -> memref<1x!tpu.dma_semaphore, #tpu.memory_space<semaphore_mem>>
    %dma_start3A_205 = tpu.memref_squeeze %dma_start3A_204 : memref<1x!tpu.dma_semaphore, #tpu.memory_space<semaphore_mem>> -> memref<!tpu.dma_semaphore, #tpu.memory_space<semaphore_mem>>
    tpu.enqueue_indirect_dma source(%dma_start3A_203 : memref<32768x128xf32, #tpu.memory_space<hbm>>) target(%dma_start3A_198 : memref<128x128xf32, #tpu.memory_space<vmem>>) offsets(%dma_start3A_200 : memref<128xi32, #tpu.memory_space<vmem>>) semaphore(%dma_start3A_205 : memref<!tpu.dma_semaphore, #tpu.memory_space<semaphore_mem>>)
    %dma_wait3A_206 = arith.constant 2 : i32
    %dma_wait3A_207 = arith.constant 2 : i32
    %dma_wait3A_208 = arith.constant 0 : i32
    %dma_wait3A_209 = arith.constant 0 : i32
    %dma_wait3A_210 = tpu.memref_slice %arg6[%dma_wait3A_206, %dma_wait3A_208, %dma_wait3A_209] : memref<6x128x128xf32, #tpu.memory_space<vmem>> -> memref<1x128x128xf32, #tpu.memory_space<vmem>>
    %dma_wait3A_211 = tpu.memref_squeeze %dma_wait3A_210 : memref<1x128x128xf32, #tpu.memory_space<vmem>> -> memref<128x128xf32, #tpu.memory_space<vmem>>
    %dma_wait3A_212 = arith.constant 256 : i32
    %dma_wait3A_213 = tpu.memref_slice %arg5[%dma_wait3A_212] : memref<1024xi32, #tpu.memory_space<vmem>> -> memref<128xi32, #tpu.memory_space<vmem>>
    %dma_wait3A_214 = arith.constant 0 : i32
    %dma_wait3A_215 = arith.constant 0 : i32
    %dma_wait3A_216 = tpu.memref_slice %arg3[%dma_wait3A_214, %dma_wait3A_215] : memref<32768x128xf32, #tpu.memory_space<hbm>> -> memref<32768x128xf32, #tpu.memory_space<hbm>>
    %dma_wait3A_217 = tpu.memref_slice %arg7[%dma_wait3A_207] : memref<6x!tpu.dma_semaphore, #tpu.memory_space<semaphore_mem>> -> memref<1x!tpu.dma_semaphore, #tpu.memory_space<semaphore_mem>>
    %dma_wait3A_218 = tpu.memref_squeeze %dma_wait3A_217 : memref<1x!tpu.dma_semaphore, #tpu.memory_space<semaphore_mem>> -> memref<!tpu.dma_semaphore, #tpu.memory_space<semaphore_mem>>
    tpu.wait_indirect_dma semaphore(%dma_wait3A_218 : memref<!tpu.dma_semaphore, #tpu.memory_space<semaphore_mem>>) src(%dma_wait3A_216 : memref<32768x128xf32, #tpu.memory_space<hbm>>) dst(%dma_wait3A_211 : memref<128x128xf32, #tpu.memory_space<vmem>>)
    %add3A_219 = arith.constant 256 : i32
    %add3A_220 = arith.addi %mul3A_32, %add3A_219 : i32
    %dma_start3A_221 = arith.constant 2 : i32
    %dma_start3A_222 = arith.constant 2 : i32
    %dma_start3A_223 = arith.constant 0 : i32
    %dma_start3A_224 = arith.constant 0 : i32
    %dma_start3A_225 = tpu.memref_slice %arg6[%dma_start3A_221, %dma_start3A_223, %dma_start3A_224] : memref<6x128x128xf32, #tpu.memory_space<vmem>> -> memref<1x128x128xf32, #tpu.memory_space<vmem>>
    %dma_start3A_226 = tpu.memref_squeeze %dma_start3A_225 : memref<1x128x128xf32, #tpu.memory_space<vmem>> -> memref<128x128xf32, #tpu.memory_space<vmem>>
    %dma_start3A_227 = arith.constant 0 : i32
    %dma_start3A_228 = tpu.memref_slice %arg4[%select_n3A, %add3A_220, %dma_start3A_227] : memref<4x8192x128xf32, #tpu.memory_space<hbm>> -> memref<1x128x128xf32, #tpu.memory_space<hbm>>
    %dma_start3A_229 = tpu.memref_squeeze %dma_start3A_228 : memref<1x128x128xf32, #tpu.memory_space<hbm>> -> memref<128x128xf32, #tpu.memory_space<hbm>>
    %dma_start3A_230 = tpu.memref_slice %arg8[%dma_start3A_222] : memref<6x!tpu.dma_semaphore, #tpu.memory_space<semaphore_mem>> -> memref<1x!tpu.dma_semaphore, #tpu.memory_space<semaphore_mem>>
    %dma_start3A_231 = tpu.memref_squeeze %dma_start3A_230 : memref<1x!tpu.dma_semaphore, #tpu.memory_space<semaphore_mem>> -> memref<!tpu.dma_semaphore, #tpu.memory_space<semaphore_mem>>
    %dma_start3A_232 = arith.constant 0 : i32
    %dma_start3A_233 = tpu.memref_slice %arg4[%select_n3A, %add3A_220, %dma_start3A_232] : memref<4x8192x128xf32, #tpu.memory_space<hbm>> -> memref<1x128x128xf32, #tpu.memory_space<hbm>>
    %dma_start3A_234 = tpu.memref_squeeze %dma_start3A_233 : memref<1x128x128xf32, #tpu.memory_space<hbm>> -> memref<128x128xf32, #tpu.memory_space<hbm>>
    %dma_start3A_235 = arith.constant 0 : i32
    %dma_start3A_236 = arith.constant 0 : i32
    %dma_start3A_237 = tpu.memref_slice %arg6[%dma_start3A_221, %dma_start3A_235, %dma_start3A_236] : memref<6x128x128xf32, #tpu.memory_space<vmem>> -> memref<1x128x128xf32, #tpu.memory_space<vmem>>
    %dma_start3A_238 = tpu.memref_squeeze %dma_start3A_237 : memref<1x128x128xf32, #tpu.memory_space<vmem>> -> memref<128x128xf32, #tpu.memory_space<vmem>>
    tpu.enqueue_dma source(%dma_start3A_238 : memref<128x128xf32, #tpu.memory_space<vmem>>) target(%dma_start3A_234 : memref<128x128xf32, #tpu.memory_space<hbm>>) target_semaphore(%dma_start3A_231 : memref<!tpu.dma_semaphore, #tpu.memory_space<semaphore_mem>>)
    %dma_wait3A_239 = arith.constant 1 : i32
    %dma_wait3A_240 = arith.constant 1 : i32
    %dma_wait3A_241 = arith.constant 0 : i32
    %dma_wait3A_242 = arith.constant 0 : i32
    %dma_wait3A_243 = tpu.memref_slice %arg6[%dma_wait3A_239, %dma_wait3A_241, %dma_wait3A_242] : memref<6x128x128xf32, #tpu.memory_space<vmem>> -> memref<1x128x128xf32, #tpu.memory_space<vmem>>
    %dma_wait3A_244 = tpu.memref_squeeze %dma_wait3A_243 : memref<1x128x128xf32, #tpu.memory_space<vmem>> -> memref<128x128xf32, #tpu.memory_space<vmem>>
    %dma_wait3A_245 = arith.constant 0 : i32
    %dma_wait3A_246 = tpu.memref_slice %arg4[%select_n3A, %add3A_156, %dma_wait3A_245] : memref<4x8192x128xf32, #tpu.memory_space<hbm>> -> memref<1x128x128xf32, #tpu.memory_space<hbm>>
    %dma_wait3A_247 = tpu.memref_squeeze %dma_wait3A_246 : memref<1x128x128xf32, #tpu.memory_space<hbm>> -> memref<128x128xf32, #tpu.memory_space<hbm>>
    %dma_wait3A_248 = tpu.memref_slice %arg8[%dma_wait3A_240] : memref<6x!tpu.dma_semaphore, #tpu.memory_space<semaphore_mem>> -> memref<1x!tpu.dma_semaphore, #tpu.memory_space<semaphore_mem>>
    %dma_wait3A_249 = tpu.memref_squeeze %dma_wait3A_248 : memref<1x!tpu.dma_semaphore, #tpu.memory_space<semaphore_mem>> -> memref<!tpu.dma_semaphore, #tpu.memory_space<semaphore_mem>>
    %dma_wait3A_250 = arith.constant 0 : i32
    %dma_wait3A_251 = tpu.memref_slice %arg4[%select_n3A, %add3A_156, %dma_wait3A_250] : memref<4x8192x128xf32, #tpu.memory_space<hbm>> -> memref<1x128x128xf32, #tpu.memory_space<hbm>>
    %dma_wait3A_252 = tpu.memref_squeeze %dma_wait3A_251 : memref<1x128x128xf32, #tpu.memory_space<hbm>> -> memref<128x128xf32, #tpu.memory_space<hbm>>
    %dma_wait3A_253 = arith.constant 0 : i32
    %dma_wait3A_254 = arith.constant 0 : i32
    %dma_wait3A_255 = tpu.memref_slice %arg6[%dma_wait3A_239, %dma_wait3A_253, %dma_wait3A_254] : memref<6x128x128xf32, #tpu.memory_space<vmem>> -> memref<1x128x128xf32, #tpu.memory_space<vmem>>
    %dma_wait3A_256 = tpu.memref_squeeze %dma_wait3A_255 : memref<1x128x128xf32, #tpu.memory_space<vmem>> -> memref<128x128xf32, #tpu.memory_space<vmem>>
    tpu.wait_dma2 semaphore(%dma_wait3A_249 : memref<!tpu.dma_semaphore, #tpu.memory_space<semaphore_mem>>) src(%dma_wait3A_256 : memref<128x128xf32, #tpu.memory_space<vmem>>) dst(%dma_wait3A_252 : memref<128x128xf32, #tpu.memory_space<hbm>>)
    %dma_start3A_257 = arith.constant 1 : i32
    %dma_start3A_258 = arith.constant 1 : i32
    %dma_start3A_259 = arith.constant 0 : i32
    %dma_start3A_260 = arith.constant 0 : i32
    %dma_start3A_261 = tpu.memref_slice %arg6[%dma_start3A_257, %dma_start3A_259, %dma_start3A_260] : memref<6x128x128xf32, #tpu.memory_space<vmem>> -> memref<1x128x128xf32, #tpu.memory_space<vmem>>
    %dma_start3A_262 = tpu.memref_squeeze %dma_start3A_261 : memref<1x128x128xf32, #tpu.memory_space<vmem>> -> memref<128x128xf32, #tpu.memory_space<vmem>>
    %dma_start3A_263 = arith.constant 896 : i32
    %dma_start3A_264 = tpu.memref_slice %arg5[%dma_start3A_263] : memref<1024xi32, #tpu.memory_space<vmem>> -> memref<128xi32, #tpu.memory_space<vmem>>
    %dma_start3A_265 = arith.constant 0 : i32
    %dma_start3A_266 = arith.constant 0 : i32
    %dma_start3A_267 = tpu.memref_slice %arg3[%dma_start3A_265, %dma_start3A_266] : memref<32768x128xf32, #tpu.memory_space<hbm>> -> memref<32768x128xf32, #tpu.memory_space<hbm>>
    %dma_start3A_268 = tpu.memref_slice %arg7[%dma_start3A_258] : memref<6x!tpu.dma_semaphore, #tpu.memory_space<semaphore_mem>> -> memref<1x!tpu.dma_semaphore, #tpu.memory_space<semaphore_mem>>
    %dma_start3A_269 = tpu.memref_squeeze %dma_start3A_268 : memref<1x!tpu.dma_semaphore, #tpu.memory_space<semaphore_mem>> -> memref<!tpu.dma_semaphore, #tpu.memory_space<semaphore_mem>>
    tpu.enqueue_indirect_dma source(%dma_start3A_267 : memref<32768x128xf32, #tpu.memory_space<hbm>>) target(%dma_start3A_262 : memref<128x128xf32, #tpu.memory_space<vmem>>) offsets(%dma_start3A_264 : memref<128xi32, #tpu.memory_space<vmem>>) semaphore(%dma_start3A_269 : memref<!tpu.dma_semaphore, #tpu.memory_space<semaphore_mem>>)
    %dma_wait3A_270 = arith.constant 3 : i32
    %dma_wait3A_271 = arith.constant 3 : i32
    %dma_wait3A_272 = arith.constant 0 : i32
    %dma_wait3A_273 = arith.constant 0 : i32
    %dma_wait3A_274 = tpu.memref_slice %arg6[%dma_wait3A_270, %dma_wait3A_272, %dma_wait3A_273] : memref<6x128x128xf32, #tpu.memory_space<vmem>> -> memref<1x128x128xf32, #tpu.memory_space<vmem>>
    %dma_wait3A_275 = tpu.memref_squeeze %dma_wait3A_274 : memref<1x128x128xf32, #tpu.memory_space<vmem>> -> memref<128x128xf32, #tpu.memory_space<vmem>>
    %dma_wait3A_276 = arith.constant 384 : i32
    %dma_wait3A_277 = tpu.memref_slice %arg5[%dma_wait3A_276] : memref<1024xi32, #tpu.memory_space<vmem>> -> memref<128xi32, #tpu.memory_space<vmem>>
    %dma_wait3A_278 = arith.constant 0 : i32
    %dma_wait3A_279 = arith.constant 0 : i32
    %dma_wait3A_280 = tpu.memref_slice %arg3[%dma_wait3A_278, %dma_wait3A_279] : memref<32768x128xf32, #tpu.memory_space<hbm>> -> memref<32768x128xf32, #tpu.memory_space<hbm>>
    %dma_wait3A_281 = tpu.memref_slice %arg7[%dma_wait3A_271] : memref<6x!tpu.dma_semaphore, #tpu.memory_space<semaphore_mem>> -> memref<1x!tpu.dma_semaphore, #tpu.memory_space<semaphore_mem>>
    %dma_wait3A_282 = tpu.memref_squeeze %dma_wait3A_281 : memref<1x!tpu.dma_semaphore, #tpu.memory_space<semaphore_mem>> -> memref<!tpu.dma_semaphore, #tpu.memory_space<semaphore_mem>>
    tpu.wait_indirect_dma semaphore(%dma_wait3A_282 : memref<!tpu.dma_semaphore, #tpu.memory_space<semaphore_mem>>) src(%dma_wait3A_280 : memref<32768x128xf32, #tpu.memory_space<hbm>>) dst(%dma_wait3A_275 : memref<128x128xf32, #tpu.memory_space<vmem>>)
    %add3A_283 = arith.constant 384 : i32
    %add3A_284 = arith.addi %mul3A_32, %add3A_283 : i32
    %dma_start3A_285 = arith.constant 3 : i32
    %dma_start3A_286 = arith.constant 3 : i32
    %dma_start3A_287 = arith.constant 0 : i32
    %dma_start3A_288 = arith.constant 0 : i32
    %dma_start3A_289 = tpu.memref_slice %arg6[%dma_start3A_285, %dma_start3A_287, %dma_start3A_288] : memref<6x128x128xf32, #tpu.memory_space<vmem>> -> memref<1x128x128xf32, #tpu.memory_space<vmem>>
    %dma_start3A_290 = tpu.memref_squeeze %dma_start3A_289 : memref<1x128x128xf32, #tpu.memory_space<vmem>> -> memref<128x128xf32, #tpu.memory_space<vmem>>
    %dma_start3A_291 = arith.constant 0 : i32
    %dma_start3A_292 = tpu.memref_slice %arg4[%select_n3A, %add3A_284, %dma_start3A_291] : memref<4x8192x128xf32, #tpu.memory_space<hbm>> -> memref<1x128x128xf32, #tpu.memory_space<hbm>>
    %dma_start3A_293 = tpu.memref_squeeze %dma_start3A_292 : memref<1x128x128xf32, #tpu.memory_space<hbm>> -> memref<128x128xf32, #tpu.memory_space<hbm>>
    %dma_start3A_294 = tpu.memref_slice %arg8[%dma_start3A_286] : memref<6x!tpu.dma_semaphore, #tpu.memory_space<semaphore_mem>> -> memref<1x!tpu.dma_semaphore, #tpu.memory_space<semaphore_mem>>
    %dma_start3A_295 = tpu.memref_squeeze %dma_start3A_294 : memref<1x!tpu.dma_semaphore, #tpu.memory_space<semaphore_mem>> -> memref<!tpu.dma_semaphore, #tpu.memory_space<semaphore_mem>>
    %dma_start3A_296 = arith.constant 0 : i32
    %dma_start3A_297 = tpu.memref_slice %arg4[%select_n3A, %add3A_284, %dma_start3A_296] : memref<4x8192x128xf32, #tpu.memory_space<hbm>> -> memref<1x128x128xf32, #tpu.memory_space<hbm>>
    %dma_start3A_298 = tpu.memref_squeeze %dma_start3A_297 : memref<1x128x128xf32, #tpu.memory_space<hbm>> -> memref<128x128xf32, #tpu.memory_space<hbm>>
    %dma_start3A_299 = arith.constant 0 : i32
    %dma_start3A_300 = arith.constant 0 : i32
    %dma_start3A_301 = tpu.memref_slice %arg6[%dma_start3A_285, %dma_start3A_299, %dma_start3A_300] : memref<6x128x128xf32, #tpu.memory_space<vmem>> -> memref<1x128x128xf32, #tpu.memory_space<vmem>>
    %dma_start3A_302 = tpu.memref_squeeze %dma_start3A_301 : memref<1x128x128xf32, #tpu.memory_space<vmem>> -> memref<128x128xf32, #tpu.memory_space<vmem>>
    tpu.enqueue_dma source(%dma_start3A_302 : memref<128x128xf32, #tpu.memory_space<vmem>>) target(%dma_start3A_298 : memref<128x128xf32, #tpu.memory_space<hbm>>) target_semaphore(%dma_start3A_295 : memref<!tpu.dma_semaphore, #tpu.memory_space<semaphore_mem>>)
    %dma_wait3A_303 = arith.constant 4 : i32
    %dma_wait3A_304 = arith.constant 4 : i32
    %dma_wait3A_305 = arith.constant 0 : i32
    %dma_wait3A_306 = arith.constant 0 : i32
    %dma_wait3A_307 = tpu.memref_slice %arg6[%dma_wait3A_303, %dma_wait3A_305, %dma_wait3A_306] : memref<6x128x128xf32, #tpu.memory_space<vmem>> -> memref<1x128x128xf32, #tpu.memory_space<vmem>>
    %dma_wait3A_308 = tpu.memref_squeeze %dma_wait3A_307 : memref<1x128x128xf32, #tpu.memory_space<vmem>> -> memref<128x128xf32, #tpu.memory_space<vmem>>
    %dma_wait3A_309 = arith.constant 512 : i32
    %dma_wait3A_310 = tpu.memref_slice %arg5[%dma_wait3A_309] : memref<1024xi32, #tpu.memory_space<vmem>> -> memref<128xi32, #tpu.memory_space<vmem>>
    %dma_wait3A_311 = arith.constant 0 : i32
    %dma_wait3A_312 = arith.constant 0 : i32
    %dma_wait3A_313 = tpu.memref_slice %arg3[%dma_wait3A_311, %dma_wait3A_312] : memref<32768x128xf32, #tpu.memory_space<hbm>> -> memref<32768x128xf32, #tpu.memory_space<hbm>>
    %dma_wait3A_314 = tpu.memref_slice %arg7[%dma_wait3A_304] : memref<6x!tpu.dma_semaphore, #tpu.memory_space<semaphore_mem>> -> memref<1x!tpu.dma_semaphore, #tpu.memory_space<semaphore_mem>>
    %dma_wait3A_315 = tpu.memref_squeeze %dma_wait3A_314 : memref<1x!tpu.dma_semaphore, #tpu.memory_space<semaphore_mem>> -> memref<!tpu.dma_semaphore, #tpu.memory_space<semaphore_mem>>
    tpu.wait_indirect_dma semaphore(%dma_wait3A_315 : memref<!tpu.dma_semaphore, #tpu.memory_space<semaphore_mem>>) src(%dma_wait3A_313 : memref<32768x128xf32, #tpu.memory_space<hbm>>) dst(%dma_wait3A_308 : memref<128x128xf32, #tpu.memory_space<vmem>>)
    %add3A_316 = arith.constant 512 : i32
    %add3A_317 = arith.addi %mul3A_32, %add3A_316 : i32
    %dma_start3A_318 = arith.constant 4 : i32
    %dma_start3A_319 = arith.constant 4 : i32
    %dma_start3A_320 = arith.constant 0 : i32
    %dma_start3A_321 = arith.constant 0 : i32
    %dma_start3A_322 = tpu.memref_slice %arg6[%dma_start3A_318, %dma_start3A_320, %dma_start3A_321] : memref<6x128x128xf32, #tpu.memory_space<vmem>> -> memref<1x128x128xf32, #tpu.memory_space<vmem>>
    %dma_start3A_323 = tpu.memref_squeeze %dma_start3A_322 : memref<1x128x128xf32, #tpu.memory_space<vmem>> -> memref<128x128xf32, #tpu.memory_space<vmem>>
    %dma_start3A_324 = arith.constant 0 : i32
    %dma_start3A_325 = tpu.memref_slice %arg4[%select_n3A, %add3A_317, %dma_start3A_324] : memref<4x8192x128xf32, #tpu.memory_space<hbm>> -> memref<1x128x128xf32, #tpu.memory_space<hbm>>
    %dma_start3A_326 = tpu.memref_squeeze %dma_start3A_325 : memref<1x128x128xf32, #tpu.memory_space<hbm>> -> memref<128x128xf32, #tpu.memory_space<hbm>>
    %dma_start3A_327 = tpu.memref_slice %arg8[%dma_start3A_319] : memref<6x!tpu.dma_semaphore, #tpu.memory_space<semaphore_mem>> -> memref<1x!tpu.dma_semaphore, #tpu.memory_space<semaphore_mem>>
    %dma_start3A_328 = tpu.memref_squeeze %dma_start3A_327 : memref<1x!tpu.dma_semaphore, #tpu.memory_space<semaphore_mem>> -> memref<!tpu.dma_semaphore, #tpu.memory_space<semaphore_mem>>
    %dma_start3A_329 = arith.constant 0 : i32
    %dma_start3A_330 = tpu.memref_slice %arg4[%select_n3A, %add3A_317, %dma_start3A_329] : memref<4x8192x128xf32, #tpu.memory_space<hbm>> -> memref<1x128x128xf32, #tpu.memory_space<hbm>>
    %dma_start3A_331 = tpu.memref_squeeze %dma_start3A_330 : memref<1x128x128xf32, #tpu.memory_space<hbm>> -> memref<128x128xf32, #tpu.memory_space<hbm>>
    %dma_start3A_332 = arith.constant 0 : i32
    %dma_start3A_333 = arith.constant 0 : i32
    %dma_start3A_334 = tpu.memref_slice %arg6[%dma_start3A_318, %dma_start3A_332, %dma_start3A_333] : memref<6x128x128xf32, #tpu.memory_space<vmem>> -> memref<1x128x128xf32, #tpu.memory_space<vmem>>
    %dma_start3A_335 = tpu.memref_squeeze %dma_start3A_334 : memref<1x128x128xf32, #tpu.memory_space<vmem>> -> memref<128x128xf32, #tpu.memory_space<vmem>>
    tpu.enqueue_dma source(%dma_start3A_335 : memref<128x128xf32, #tpu.memory_space<vmem>>) target(%dma_start3A_331 : memref<128x128xf32, #tpu.memory_space<hbm>>) target_semaphore(%dma_start3A_328 : memref<!tpu.dma_semaphore, #tpu.memory_space<semaphore_mem>>)
    %dma_wait3A_336 = arith.constant 5 : i32
    %dma_wait3A_337 = arith.constant 5 : i32
    %dma_wait3A_338 = arith.constant 0 : i32
    %dma_wait3A_339 = arith.constant 0 : i32
    %dma_wait3A_340 = tpu.memref_slice %arg6[%dma_wait3A_336, %dma_wait3A_338, %dma_wait3A_339] : memref<6x128x128xf32, #tpu.memory_space<vmem>> -> memref<1x128x128xf32, #tpu.memory_space<vmem>>
    %dma_wait3A_341 = tpu.memref_squeeze %dma_wait3A_340 : memref<1x128x128xf32, #tpu.memory_space<vmem>> -> memref<128x128xf32, #tpu.memory_space<vmem>>
    %dma_wait3A_342 = arith.constant 640 : i32
    %dma_wait3A_343 = tpu.memref_slice %arg5[%dma_wait3A_342] : memref<1024xi32, #tpu.memory_space<vmem>> -> memref<128xi32, #tpu.memory_space<vmem>>
    %dma_wait3A_344 = arith.constant 0 : i32
    %dma_wait3A_345 = arith.constant 0 : i32
    %dma_wait3A_346 = tpu.memref_slice %arg3[%dma_wait3A_344, %dma_wait3A_345] : memref<32768x128xf32, #tpu.memory_space<hbm>> -> memref<32768x128xf32, #tpu.memory_space<hbm>>
    %dma_wait3A_347 = tpu.memref_slice %arg7[%dma_wait3A_337] : memref<6x!tpu.dma_semaphore, #tpu.memory_space<semaphore_mem>> -> memref<1x!tpu.dma_semaphore, #tpu.memory_space<semaphore_mem>>
    %dma_wait3A_348 = tpu.memref_squeeze %dma_wait3A_347 : memref<1x!tpu.dma_semaphore, #tpu.memory_space<semaphore_mem>> -> memref<!tpu.dma_semaphore, #tpu.memory_space<semaphore_mem>>
    tpu.wait_indirect_dma semaphore(%dma_wait3A_348 : memref<!tpu.dma_semaphore, #tpu.memory_space<semaphore_mem>>) src(%dma_wait3A_346 : memref<32768x128xf32, #tpu.memory_space<hbm>>) dst(%dma_wait3A_341 : memref<128x128xf32, #tpu.memory_space<vmem>>)
    %add3A_349 = arith.constant 640 : i32
    %add3A_350 = arith.addi %mul3A_32, %add3A_349 : i32
    %dma_start3A_351 = arith.constant 5 : i32
    %dma_start3A_352 = arith.constant 5 : i32
    %dma_start3A_353 = arith.constant 0 : i32
    %dma_start3A_354 = arith.constant 0 : i32
    %dma_start3A_355 = tpu.memref_slice %arg6[%dma_start3A_351, %dma_start3A_353, %dma_start3A_354] : memref<6x128x128xf32, #tpu.memory_space<vmem>> -> memref<1x128x128xf32, #tpu.memory_space<vmem>>
    %dma_start3A_356 = tpu.memref_squeeze %dma_start3A_355 : memref<1x128x128xf32, #tpu.memory_space<vmem>> -> memref<128x128xf32, #tpu.memory_space<vmem>>
    %dma_start3A_357 = arith.constant 0 : i32
    %dma_start3A_358 = tpu.memref_slice %arg4[%select_n3A, %add3A_350, %dma_start3A_357] : memref<4x8192x128xf32, #tpu.memory_space<hbm>> -> memref<1x128x128xf32, #tpu.memory_space<hbm>>
    %dma_start3A_359 = tpu.memref_squeeze %dma_start3A_358 : memref<1x128x128xf32, #tpu.memory_space<hbm>> -> memref<128x128xf32, #tpu.memory_space<hbm>>
    %dma_start3A_360 = tpu.memref_slice %arg8[%dma_start3A_352] : memref<6x!tpu.dma_semaphore, #tpu.memory_space<semaphore_mem>> -> memref<1x!tpu.dma_semaphore, #tpu.memory_space<semaphore_mem>>
    %dma_start3A_361 = tpu.memref_squeeze %dma_start3A_360 : memref<1x!tpu.dma_semaphore, #tpu.memory_space<semaphore_mem>> -> memref<!tpu.dma_semaphore, #tpu.memory_space<semaphore_mem>>
    %dma_start3A_362 = arith.constant 0 : i32
    %dma_start3A_363 = tpu.memref_slice %arg4[%select_n3A, %add3A_350, %dma_start3A_362] : memref<4x8192x128xf32, #tpu.memory_space<hbm>> -> memref<1x128x128xf32, #tpu.memory_space<hbm>>
    %dma_start3A_364 = tpu.memref_squeeze %dma_start3A_363 : memref<1x128x128xf32, #tpu.memory_space<hbm>> -> memref<128x128xf32, #tpu.memory_space<hbm>>
    %dma_start3A_365 = arith.constant 0 : i32
    %dma_start3A_366 = arith.constant 0 : i32
    %dma_start3A_367 = tpu.memref_slice %arg6[%dma_start3A_351, %dma_start3A_365, %dma_start3A_366] : memref<6x128x128xf32, #tpu.memory_space<vmem>> -> memref<1x128x128xf32, #tpu.memory_space<vmem>>
    %dma_start3A_368 = tpu.memref_squeeze %dma_start3A_367 : memref<1x128x128xf32, #tpu.memory_space<vmem>> -> memref<128x128xf32, #tpu.memory_space<vmem>>
    tpu.enqueue_dma source(%dma_start3A_368 : memref<128x128xf32, #tpu.memory_space<vmem>>) target(%dma_start3A_364 : memref<128x128xf32, #tpu.memory_space<hbm>>) target_semaphore(%dma_start3A_361 : memref<!tpu.dma_semaphore, #tpu.memory_space<semaphore_mem>>)
    %dma_wait3A_369 = arith.constant 0 : i32
    %dma_wait3A_370 = arith.constant 0 : i32
    %dma_wait3A_371 = arith.constant 0 : i32
    %dma_wait3A_372 = arith.constant 0 : i32
    %dma_wait3A_373 = tpu.memref_slice %arg6[%dma_wait3A_369, %dma_wait3A_371, %dma_wait3A_372] : memref<6x128x128xf32, #tpu.memory_space<vmem>> -> memref<1x128x128xf32, #tpu.memory_space<vmem>>
    %dma_wait3A_374 = tpu.memref_squeeze %dma_wait3A_373 : memref<1x128x128xf32, #tpu.memory_space<vmem>> -> memref<128x128xf32, #tpu.memory_space<vmem>>
    %dma_wait3A_375 = arith.constant 768 : i32
    %dma_wait3A_376 = tpu.memref_slice %arg5[%dma_wait3A_375] : memref<1024xi32, #tpu.memory_space<vmem>> -> memref<128xi32, #tpu.memory_space<vmem>>
    %dma_wait3A_377 = arith.constant 0 : i32
    %dma_wait3A_378 = arith.constant 0 : i32
    %dma_wait3A_379 = tpu.memref_slice %arg3[%dma_wait3A_377, %dma_wait3A_378] : memref<32768x128xf32, #tpu.memory_space<hbm>> -> memref<32768x128xf32, #tpu.memory_space<hbm>>
    %dma_wait3A_380 = tpu.memref_slice %arg7[%dma_wait3A_370] : memref<6x!tpu.dma_semaphore, #tpu.memory_space<semaphore_mem>> -> memref<1x!tpu.dma_semaphore, #tpu.memory_space<semaphore_mem>>
    %dma_wait3A_381 = tpu.memref_squeeze %dma_wait3A_380 : memref<1x!tpu.dma_semaphore, #tpu.memory_space<semaphore_mem>> -> memref<!tpu.dma_semaphore, #tpu.memory_space<semaphore_mem>>
    tpu.wait_indirect_dma semaphore(%dma_wait3A_381 : memref<!tpu.dma_semaphore, #tpu.memory_space<semaphore_mem>>) src(%dma_wait3A_379 : memref<32768x128xf32, #tpu.memory_space<hbm>>) dst(%dma_wait3A_374 : memref<128x128xf32, #tpu.memory_space<vmem>>)
    %add3A_382 = arith.constant 768 : i32
    %add3A_383 = arith.addi %mul3A_32, %add3A_382 : i32
    %dma_start3A_384 = arith.constant 0 : i32
    %dma_start3A_385 = arith.constant 0 : i32
    %dma_start3A_386 = arith.constant 0 : i32
    %dma_start3A_387 = arith.constant 0 : i32
    %dma_start3A_388 = tpu.memref_slice %arg6[%dma_start3A_384, %dma_start3A_386, %dma_start3A_387] : memref<6x128x128xf32, #tpu.memory_space<vmem>> -> memref<1x128x128xf32, #tpu.memory_space<vmem>>
    %dma_start3A_389 = tpu.memref_squeeze %dma_start3A_388 : memref<1x128x128xf32, #tpu.memory_space<vmem>> -> memref<128x128xf32, #tpu.memory_space<vmem>>
    %dma_start3A_390 = arith.constant 0 : i32
    %dma_start3A_391 = tpu.memref_slice %arg4[%select_n3A, %add3A_383, %dma_start3A_390] : memref<4x8192x128xf32, #tpu.memory_space<hbm>> -> memref<1x128x128xf32, #tpu.memory_space<hbm>>
    %dma_start3A_392 = tpu.memref_squeeze %dma_start3A_391 : memref<1x128x128xf32, #tpu.memory_space<hbm>> -> memref<128x128xf32, #tpu.memory_space<hbm>>
    %dma_start3A_393 = tpu.memref_slice %arg8[%dma_start3A_385] : memref<6x!tpu.dma_semaphore, #tpu.memory_space<semaphore_mem>> -> memref<1x!tpu.dma_semaphore, #tpu.memory_space<semaphore_mem>>
    %dma_start3A_394 = tpu.memref_squeeze %dma_start3A_393 : memref<1x!tpu.dma_semaphore, #tpu.memory_space<semaphore_mem>> -> memref<!tpu.dma_semaphore, #tpu.memory_space<semaphore_mem>>
    %dma_start3A_395 = arith.constant 0 : i32
    %dma_start3A_396 = tpu.memref_slice %arg4[%select_n3A, %add3A_383, %dma_start3A_395] : memref<4x8192x128xf32, #tpu.memory_space<hbm>> -> memref<1x128x128xf32, #tpu.memory_space<hbm>>
    %dma_start3A_397 = tpu.memref_squeeze %dma_start3A_396 : memref<1x128x128xf32, #tpu.memory_space<hbm>> -> memref<128x128xf32, #tpu.memory_space<hbm>>
    %dma_start3A_398 = arith.constant 0 : i32
    %dma_start3A_399 = arith.constant 0 : i32
    %dma_start3A_400 = tpu.memref_slice %arg6[%dma_start3A_384, %dma_start3A_398, %dma_start3A_399] : memref<6x128x128xf32, #tpu.memory_space<vmem>> -> memref<1x128x128xf32, #tpu.memory_space<vmem>>
    %dma_start3A_401 = tpu.memref_squeeze %dma_start3A_400 : memref<1x128x128xf32, #tpu.memory_space<vmem>> -> memref<128x128xf32, #tpu.memory_space<vmem>>
    tpu.enqueue_dma source(%dma_start3A_401 : memref<128x128xf32, #tpu.memory_space<vmem>>) target(%dma_start3A_397 : memref<128x128xf32, #tpu.memory_space<hbm>>) target_semaphore(%dma_start3A_394 : memref<!tpu.dma_semaphore, #tpu.memory_space<semaphore_mem>>)
    %dma_wait3A_402 = arith.constant 1 : i32
    %dma_wait3A_403 = arith.constant 1 : i32
    %dma_wait3A_404 = arith.constant 0 : i32
    %dma_wait3A_405 = arith.constant 0 : i32
    %dma_wait3A_406 = tpu.memref_slice %arg6[%dma_wait3A_402, %dma_wait3A_404, %dma_wait3A_405] : memref<6x128x128xf32, #tpu.memory_space<vmem>> -> memref<1x128x128xf32, #tpu.memory_space<vmem>>
    %dma_wait3A_407 = tpu.memref_squeeze %dma_wait3A_406 : memref<1x128x128xf32, #tpu.memory_space<vmem>> -> memref<128x128xf32, #tpu.memory_space<vmem>>
    %dma_wait3A_408 = arith.constant 896 : i32
    %dma_wait3A_409 = tpu.memref_slice %arg5[%dma_wait3A_408] : memref<1024xi32, #tpu.memory_space<vmem>> -> memref<128xi32, #tpu.memory_space<vmem>>
    %dma_wait3A_410 = arith.constant 0 : i32
    %dma_wait3A_411 = arith.constant 0 : i32
    %dma_wait3A_412 = tpu.memref_slice %arg3[%dma_wait3A_410, %dma_wait3A_411] : memref<32768x128xf32, #tpu.memory_space<hbm>> -> memref<32768x128xf32, #tpu.memory_space<hbm>>
    %dma_wait3A_413 = tpu.memref_slice %arg7[%dma_wait3A_403] : memref<6x!tpu.dma_semaphore, #tpu.memory_space<semaphore_mem>> -> memref<1x!tpu.dma_semaphore, #tpu.memory_space<semaphore_mem>>
    %dma_wait3A_414 = tpu.memref_squeeze %dma_wait3A_413 : memref<1x!tpu.dma_semaphore, #tpu.memory_space<semaphore_mem>> -> memref<!tpu.dma_semaphore, #tpu.memory_space<semaphore_mem>>
    tpu.wait_indirect_dma semaphore(%dma_wait3A_414 : memref<!tpu.dma_semaphore, #tpu.memory_space<semaphore_mem>>) src(%dma_wait3A_412 : memref<32768x128xf32, #tpu.memory_space<hbm>>) dst(%dma_wait3A_407 : memref<128x128xf32, #tpu.memory_space<vmem>>)
    %add3A_415 = arith.constant 896 : i32
    %add3A_416 = arith.addi %mul3A_32, %add3A_415 : i32
    %dma_start3A_417 = arith.constant 1 : i32
    %dma_start3A_418 = arith.constant 1 : i32
    %dma_start3A_419 = arith.constant 0 : i32
    %dma_start3A_420 = arith.constant 0 : i32
    %dma_start3A_421 = tpu.memref_slice %arg6[%dma_start3A_417, %dma_start3A_419, %dma_start3A_420] : memref<6x128x128xf32, #tpu.memory_space<vmem>> -> memref<1x128x128xf32, #tpu.memory_space<vmem>>
    %dma_start3A_422 = tpu.memref_squeeze %dma_start3A_421 : memref<1x128x128xf32, #tpu.memory_space<vmem>> -> memref<128x128xf32, #tpu.memory_space<vmem>>
    %dma_start3A_423 = arith.constant 0 : i32
    %dma_start3A_424 = tpu.memref_slice %arg4[%select_n3A, %add3A_416, %dma_start3A_423] : memref<4x8192x128xf32, #tpu.memory_space<hbm>> -> memref<1x128x128xf32, #tpu.memory_space<hbm>>
    %dma_start3A_425 = tpu.memref_squeeze %dma_start3A_424 : memref<1x128x128xf32, #tpu.memory_space<hbm>> -> memref<128x128xf32, #tpu.memory_space<hbm>>
    %dma_start3A_426 = tpu.memref_slice %arg8[%dma_start3A_418] : memref<6x!tpu.dma_semaphore, #tpu.memory_space<semaphore_mem>> -> memref<1x!tpu.dma_semaphore, #tpu.memory_space<semaphore_mem>>
    %dma_start3A_427 = tpu.memref_squeeze %dma_start3A_426 : memref<1x!tpu.dma_semaphore, #tpu.memory_space<semaphore_mem>> -> memref<!tpu.dma_semaphore, #tpu.memory_space<semaphore_mem>>
    %dma_start3A_428 = arith.constant 0 : i32
    %dma_start3A_429 = tpu.memref_slice %arg4[%select_n3A, %add3A_416, %dma_start3A_428] : memref<4x8192x128xf32, #tpu.memory_space<hbm>> -> memref<1x128x128xf32, #tpu.memory_space<hbm>>
    %dma_start3A_430 = tpu.memref_squeeze %dma_start3A_429 : memref<1x128x128xf32, #tpu.memory_space<hbm>> -> memref<128x128xf32, #tpu.memory_space<hbm>>
    %dma_start3A_431 = arith.constant 0 : i32
    %dma_start3A_432 = arith.constant 0 : i32
    %dma_start3A_433 = tpu.memref_slice %arg6[%dma_start3A_417, %dma_start3A_431, %dma_start3A_432] : memref<6x128x128xf32, #tpu.memory_space<vmem>> -> memref<1x128x128xf32, #tpu.memory_space<vmem>>
    %dma_start3A_434 = tpu.memref_squeeze %dma_start3A_433 : memref<1x128x128xf32, #tpu.memory_space<vmem>> -> memref<128x128xf32, #tpu.memory_space<vmem>>
    tpu.enqueue_dma source(%dma_start3A_434 : memref<128x128xf32, #tpu.memory_space<vmem>>) target(%dma_start3A_430 : memref<128x128xf32, #tpu.memory_space<hbm>>) target_semaphore(%dma_start3A_427 : memref<!tpu.dma_semaphore, #tpu.memory_space<semaphore_mem>>)
    %dma_wait3A_435 = arith.constant 2 : i32
    %dma_wait3A_436 = arith.constant 2 : i32
    %dma_wait3A_437 = arith.constant 0 : i32
    %dma_wait3A_438 = arith.constant 0 : i32
    %dma_wait3A_439 = tpu.memref_slice %arg6[%dma_wait3A_435, %dma_wait3A_437, %dma_wait3A_438] : memref<6x128x128xf32, #tpu.memory_space<vmem>> -> memref<1x128x128xf32, #tpu.memory_space<vmem>>
    %dma_wait3A_440 = tpu.memref_squeeze %dma_wait3A_439 : memref<1x128x128xf32, #tpu.memory_space<vmem>> -> memref<128x128xf32, #tpu.memory_space<vmem>>
    %dma_wait3A_441 = arith.constant 0 : i32
    %dma_wait3A_442 = tpu.memref_slice %arg4[%select_n3A, %add3A_220, %dma_wait3A_441] : memref<4x8192x128xf32, #tpu.memory_space<hbm>> -> memref<1x128x128xf32, #tpu.memory_space<hbm>>
    %dma_wait3A_443 = tpu.memref_squeeze %dma_wait3A_442 : memref<1x128x128xf32, #tpu.memory_space<hbm>> -> memref<128x128xf32, #tpu.memory_space<hbm>>
    %dma_wait3A_444 = tpu.memref_slice %arg8[%dma_wait3A_436] : memref<6x!tpu.dma_semaphore, #tpu.memory_space<semaphore_mem>> -> memref<1x!tpu.dma_semaphore, #tpu.memory_space<semaphore_mem>>
    %dma_wait3A_445 = tpu.memref_squeeze %dma_wait3A_444 : memref<1x!tpu.dma_semaphore, #tpu.memory_space<semaphore_mem>> -> memref<!tpu.dma_semaphore, #tpu.memory_space<semaphore_mem>>
    %dma_wait3A_446 = arith.constant 0 : i32
    %dma_wait3A_447 = tpu.memref_slice %arg4[%select_n3A, %add3A_220, %dma_wait3A_446] : memref<4x8192x128xf32, #tpu.memory_space<hbm>> -> memref<1x128x128xf32, #tpu.memory_space<hbm>>
    %dma_wait3A_448 = tpu.memref_squeeze %dma_wait3A_447 : memref<1x128x128xf32, #tpu.memory_space<hbm>> -> memref<128x128xf32, #tpu.memory_space<hbm>>
    %dma_wait3A_449 = arith.constant 0 : i32
    %dma_wait3A_450 = arith.constant 0 : i32
    %dma_wait3A_451 = tpu.memref_slice %arg6[%dma_wait3A_435, %dma_wait3A_449, %dma_wait3A_450] : memref<6x128x128xf32, #tpu.memory_space<vmem>> -> memref<1x128x128xf32, #tpu.memory_space<vmem>>
    %dma_wait3A_452 = tpu.memref_squeeze %dma_wait3A_451 : memref<1x128x128xf32, #tpu.memory_space<vmem>> -> memref<128x128xf32, #tpu.memory_space<vmem>>
    tpu.wait_dma2 semaphore(%dma_wait3A_445 : memref<!tpu.dma_semaphore, #tpu.memory_space<semaphore_mem>>) src(%dma_wait3A_452 : memref<128x128xf32, #tpu.memory_space<vmem>>) dst(%dma_wait3A_448 : memref<128x128xf32, #tpu.memory_space<hbm>>)
    %dma_wait3A_453 = arith.constant 3 : i32
    %dma_wait3A_454 = arith.constant 3 : i32
    %dma_wait3A_455 = arith.constant 0 : i32
    %dma_wait3A_456 = arith.constant 0 : i32
    %dma_wait3A_457 = tpu.memref_slice %arg6[%dma_wait3A_453, %dma_wait3A_455, %dma_wait3A_456] : memref<6x128x128xf32, #tpu.memory_space<vmem>> -> memref<1x128x128xf32, #tpu.memory_space<vmem>>
    %dma_wait3A_458 = tpu.memref_squeeze %dma_wait3A_457 : memref<1x128x128xf32, #tpu.memory_space<vmem>> -> memref<128x128xf32, #tpu.memory_space<vmem>>
    %dma_wait3A_459 = arith.constant 0 : i32
    %dma_wait3A_460 = tpu.memref_slice %arg4[%select_n3A, %add3A_284, %dma_wait3A_459] : memref<4x8192x128xf32, #tpu.memory_space<hbm>> -> memref<1x128x128xf32, #tpu.memory_space<hbm>>
    %dma_wait3A_461 = tpu.memref_squeeze %dma_wait3A_460 : memref<1x128x128xf32, #tpu.memory_space<hbm>> -> memref<128x128xf32, #tpu.memory_space<hbm>>
    %dma_wait3A_462 = tpu.memref_slice %arg8[%dma_wait3A_454] : memref<6x!tpu.dma_semaphore, #tpu.memory_space<semaphore_mem>> -> memref<1x!tpu.dma_semaphore, #tpu.memory_space<semaphore_mem>>
    %dma_wait3A_463 = tpu.memref_squeeze %dma_wait3A_462 : memref<1x!tpu.dma_semaphore, #tpu.memory_space<semaphore_mem>> -> memref<!tpu.dma_semaphore, #tpu.memory_space<semaphore_mem>>
    %dma_wait3A_464 = arith.constant 0 : i32
    %dma_wait3A_465 = tpu.memref_slice %arg4[%select_n3A, %add3A_284, %dma_wait3A_464] : memref<4x8192x128xf32, #tpu.memory_space<hbm>> -> memref<1x128x128xf32, #tpu.memory_space<hbm>>
    %dma_wait3A_466 = tpu.memref_squeeze %dma_wait3A_465 : memref<1x128x128xf32, #tpu.memory_space<hbm>> -> memref<128x128xf32, #tpu.memory_space<hbm>>
    %dma_wait3A_467 = arith.constant 0 : i32
    %dma_wait3A_468 = arith.constant 0 : i32
    %dma_wait3A_469 = tpu.memref_slice %arg6[%dma_wait3A_453, %dma_wait3A_467, %dma_wait3A_468] : memref<6x128x128xf32, #tpu.memory_space<vmem>> -> memref<1x128x128xf32, #tpu.memory_space<vmem>>
    %dma_wait3A_470 = tpu.memref_squeeze %dma_wait3A_469 : memref<1x128x128xf32, #tpu.memory_space<vmem>> -> memref<128x128xf32, #tpu.memory_space<vmem>>
    tpu.wait_dma2 semaphore(%dma_wait3A_463 : memref<!tpu.dma_semaphore, #tpu.memory_space<semaphore_mem>>) src(%dma_wait3A_470 : memref<128x128xf32, #tpu.memory_space<vmem>>) dst(%dma_wait3A_466 : memref<128x128xf32, #tpu.memory_space<hbm>>)
    %dma_wait3A_471 = arith.constant 4 : i32
    %dma_wait3A_472 = arith.constant 4 : i32
    %dma_wait3A_473 = arith.constant 0 : i32
    %dma_wait3A_474 = arith.constant 0 : i32
    %dma_wait3A_475 = tpu.memref_slice %arg6[%dma_wait3A_471, %dma_wait3A_473, %dma_wait3A_474] : memref<6x128x128xf32, #tpu.memory_space<vmem>> -> memref<1x128x128xf32, #tpu.memory_space<vmem>>
    %dma_wait3A_476 = tpu.memref_squeeze %dma_wait3A_475 : memref<1x128x128xf32, #tpu.memory_space<vmem>> -> memref<128x128xf32, #tpu.memory_space<vmem>>
    %dma_wait3A_477 = arith.constant 0 : i32
    %dma_wait3A_478 = tpu.memref_slice %arg4[%select_n3A, %add3A_317, %dma_wait3A_477] : memref<4x8192x128xf32, #tpu.memory_space<hbm>> -> memref<1x128x128xf32, #tpu.memory_space<hbm>>
    %dma_wait3A_479 = tpu.memref_squeeze %dma_wait3A_478 : memref<1x128x128xf32, #tpu.memory_space<hbm>> -> memref<128x128xf32, #tpu.memory_space<hbm>>
    %dma_wait3A_480 = tpu.memref_slice %arg8[%dma_wait3A_472] : memref<6x!tpu.dma_semaphore, #tpu.memory_space<semaphore_mem>> -> memref<1x!tpu.dma_semaphore, #tpu.memory_space<semaphore_mem>>
    %dma_wait3A_481 = tpu.memref_squeeze %dma_wait3A_480 : memref<1x!tpu.dma_semaphore, #tpu.memory_space<semaphore_mem>> -> memref<!tpu.dma_semaphore, #tpu.memory_space<semaphore_mem>>
    %dma_wait3A_482 = arith.constant 0 : i32
    %dma_wait3A_483 = tpu.memref_slice %arg4[%select_n3A, %add3A_317, %dma_wait3A_482] : memref<4x8192x128xf32, #tpu.memory_space<hbm>> -> memref<1x128x128xf32, #tpu.memory_space<hbm>>
    %dma_wait3A_484 = tpu.memref_squeeze %dma_wait3A_483 : memref<1x128x128xf32, #tpu.memory_space<hbm>> -> memref<128x128xf32, #tpu.memory_space<hbm>>
    %dma_wait3A_485 = arith.constant 0 : i32
    %dma_wait3A_486 = arith.constant 0 : i32
    %dma_wait3A_487 = tpu.memref_slice %arg6[%dma_wait3A_471, %dma_wait3A_485, %dma_wait3A_486] : memref<6x128x128xf32, #tpu.memory_space<vmem>> -> memref<1x128x128xf32, #tpu.memory_space<vmem>>
    %dma_wait3A_488 = tpu.memref_squeeze %dma_wait3A_487 : memref<1x128x128xf32, #tpu.memory_space<vmem>> -> memref<128x128xf32, #tpu.memory_space<vmem>>
    tpu.wait_dma2 semaphore(%dma_wait3A_481 : memref<!tpu.dma_semaphore, #tpu.memory_space<semaphore_mem>>) src(%dma_wait3A_488 : memref<128x128xf32, #tpu.memory_space<vmem>>) dst(%dma_wait3A_484 : memref<128x128xf32, #tpu.memory_space<hbm>>)
    %dma_wait3A_489 = arith.constant 5 : i32
    %dma_wait3A_490 = arith.constant 5 : i32
    %dma_wait3A_491 = arith.constant 0 : i32
    %dma_wait3A_492 = arith.constant 0 : i32
    %dma_wait3A_493 = tpu.memref_slice %arg6[%dma_wait3A_489, %dma_wait3A_491, %dma_wait3A_492] : memref<6x128x128xf32, #tpu.memory_space<vmem>> -> memref<1x128x128xf32, #tpu.memory_space<vmem>>
    %dma_wait3A_494 = tpu.memref_squeeze %dma_wait3A_493 : memref<1x128x128xf32, #tpu.memory_space<vmem>> -> memref<128x128xf32, #tpu.memory_space<vmem>>
    %dma_wait3A_495 = arith.constant 0 : i32
    %dma_wait3A_496 = tpu.memref_slice %arg4[%select_n3A, %add3A_350, %dma_wait3A_495] : memref<4x8192x128xf32, #tpu.memory_space<hbm>> -> memref<1x128x128xf32, #tpu.memory_space<hbm>>
    %dma_wait3A_497 = tpu.memref_squeeze %dma_wait3A_496 : memref<1x128x128xf32, #tpu.memory_space<hbm>> -> memref<128x128xf32, #tpu.memory_space<hbm>>
    %dma_wait3A_498 = tpu.memref_slice %arg8[%dma_wait3A_490] : memref<6x!tpu.dma_semaphore, #tpu.memory_space<semaphore_mem>> -> memref<1x!tpu.dma_semaphore, #tpu.memory_space<semaphore_mem>>
    %dma_wait3A_499 = tpu.memref_squeeze %dma_wait3A_498 : memref<1x!tpu.dma_semaphore, #tpu.memory_space<semaphore_mem>> -> memref<!tpu.dma_semaphore, #tpu.memory_space<semaphore_mem>>
    %dma_wait3A_500 = arith.constant 0 : i32
    %dma_wait3A_501 = tpu.memref_slice %arg4[%select_n3A, %add3A_350, %dma_wait3A_500] : memref<4x8192x128xf32, #tpu.memory_space<hbm>> -> memref<1x128x128xf32, #tpu.memory_space<hbm>>
    %dma_wait3A_502 = tpu.memref_squeeze %dma_wait3A_501 : memref<1x128x128xf32, #tpu.memory_space<hbm>> -> memref<128x128xf32, #tpu.memory_space<hbm>>
    %dma_wait3A_503 = arith.constant 0 : i32
    %dma_wait3A_504 = arith.constant 0 : i32
    %dma_wait3A_505 = tpu.memref_slice %arg6[%dma_wait3A_489, %dma_wait3A_503, %dma_wait3A_504] : memref<6x128x128xf32, #tpu.memory_space<vmem>> -> memref<1x128x128xf32, #tpu.memory_space<vmem>>
    %dma_wait3A_506 = tpu.memref_squeeze %dma_wait3A_505 : memref<1x128x128xf32, #tpu.memory_space<vmem>> -> memref<128x128xf32, #tpu.memory_space<vmem>>
    tpu.wait_dma2 semaphore(%dma_wait3A_499 : memref<!tpu.dma_semaphore, #tpu.memory_space<semaphore_mem>>) src(%dma_wait3A_506 : memref<128x128xf32, #tpu.memory_space<vmem>>) dst(%dma_wait3A_502 : memref<128x128xf32, #tpu.memory_space<hbm>>)
    %dma_wait3A_507 = arith.constant 0 : i32
    %dma_wait3A_508 = arith.constant 0 : i32
    %dma_wait3A_509 = arith.constant 0 : i32
    %dma_wait3A_510 = arith.constant 0 : i32
    %dma_wait3A_511 = tpu.memref_slice %arg6[%dma_wait3A_507, %dma_wait3A_509, %dma_wait3A_510] : memref<6x128x128xf32, #tpu.memory_space<vmem>> -> memref<1x128x128xf32, #tpu.memory_space<vmem>>
    %dma_wait3A_512 = tpu.memref_squeeze %dma_wait3A_511 : memref<1x128x128xf32, #tpu.memory_space<vmem>> -> memref<128x128xf32, #tpu.memory_space<vmem>>
    %dma_wait3A_513 = arith.constant 0 : i32
    %dma_wait3A_514 = tpu.memref_slice %arg4[%select_n3A, %add3A_383, %dma_wait3A_513] : memref<4x8192x128xf32, #tpu.memory_space<hbm>> -> memref<1x128x128xf32, #tpu.memory_space<hbm>>
    %dma_wait3A_515 = tpu.memref_squeeze %dma_wait3A_514 : memref<1x128x128xf32, #tpu.memory_space<hbm>> -> memref<128x128xf32, #tpu.memory_space<hbm>>
    %dma_wait3A_516 = tpu.memref_slice %arg8[%dma_wait3A_508] : memref<6x!tpu.dma_semaphore, #tpu.memory_space<semaphore_mem>> -> memref<1x!tpu.dma_semaphore, #tpu.memory_space<semaphore_mem>>
    %dma_wait3A_517 = tpu.memref_squeeze %dma_wait3A_516 : memref<1x!tpu.dma_semaphore, #tpu.memory_space<semaphore_mem>> -> memref<!tpu.dma_semaphore, #tpu.memory_space<semaphore_mem>>
    %dma_wait3A_518 = arith.constant 0 : i32
    %dma_wait3A_519 = tpu.memref_slice %arg4[%select_n3A, %add3A_383, %dma_wait3A_518] : memref<4x8192x128xf32, #tpu.memory_space<hbm>> -> memref<1x128x128xf32, #tpu.memory_space<hbm>>
    %dma_wait3A_520 = tpu.memref_squeeze %dma_wait3A_519 : memref<1x128x128xf32, #tpu.memory_space<hbm>> -> memref<128x128xf32, #tpu.memory_space<hbm>>
    %dma_wait3A_521 = arith.constant 0 : i32
    %dma_wait3A_522 = arith.constant 0 : i32
    %dma_wait3A_523 = tpu.memref_slice %arg6[%dma_wait3A_507, %dma_wait3A_521, %dma_wait3A_522] : memref<6x128x128xf32, #tpu.memory_space<vmem>> -> memref<1x128x128xf32, #tpu.memory_space<vmem>>
    %dma_wait3A_524 = tpu.memref_squeeze %dma_wait3A_523 : memref<1x128x128xf32, #tpu.memory_space<vmem>> -> memref<128x128xf32, #tpu.memory_space<vmem>>
    tpu.wait_dma2 semaphore(%dma_wait3A_517 : memref<!tpu.dma_semaphore, #tpu.memory_space<semaphore_mem>>) src(%dma_wait3A_524 : memref<128x128xf32, #tpu.memory_space<vmem>>) dst(%dma_wait3A_520 : memref<128x128xf32, #tpu.memory_space<hbm>>)
    %dma_wait3A_525 = arith.constant 1 : i32
    %dma_wait3A_526 = arith.constant 1 : i32
    %dma_wait3A_527 = arith.constant 0 : i32
    %dma_wait3A_528 = arith.constant 0 : i32
    %dma_wait3A_529 = tpu.memref_slice %arg6[%dma_wait3A_525, %dma_wait3A_527, %dma_wait3A_528] : memref<6x128x128xf32, #tpu.memory_space<vmem>> -> memref<1x128x128xf32, #tpu.memory_space<vmem>>
    %dma_wait3A_530 = tpu.memref_squeeze %dma_wait3A_529 : memref<1x128x128xf32, #tpu.memory_space<vmem>> -> memref<128x128xf32, #tpu.memory_space<vmem>>
    %dma_wait3A_531 = arith.constant 0 : i32
    %dma_wait3A_532 = tpu.memref_slice %arg4[%select_n3A, %add3A_416, %dma_wait3A_531] : memref<4x8192x128xf32, #tpu.memory_space<hbm>> -> memref<1x128x128xf32, #tpu.memory_space<hbm>>
    %dma_wait3A_533 = tpu.memref_squeeze %dma_wait3A_532 : memref<1x128x128xf32, #tpu.memory_space<hbm>> -> memref<128x128xf32, #tpu.memory_space<hbm>>
    %dma_wait3A_534 = tpu.memref_slice %arg8[%dma_wait3A_526] : memref<6x!tpu.dma_semaphore, #tpu.memory_space<semaphore_mem>> -> memref<1x!tpu.dma_semaphore, #tpu.memory_space<semaphore_mem>>
    %dma_wait3A_535 = tpu.memref_squeeze %dma_wait3A_534 : memref<1x!tpu.dma_semaphore, #tpu.memory_space<semaphore_mem>> -> memref<!tpu.dma_semaphore, #tpu.memory_space<semaphore_mem>>
    %dma_wait3A_536 = arith.constant 0 : i32
    %dma_wait3A_537 = tpu.memref_slice %arg4[%select_n3A, %add3A_416, %dma_wait3A_536] : memref<4x8192x128xf32, #tpu.memory_space<hbm>> -> memref<1x128x128xf32, #tpu.memory_space<hbm>>
    %dma_wait3A_538 = tpu.memref_squeeze %dma_wait3A_537 : memref<1x128x128xf32, #tpu.memory_space<hbm>> -> memref<128x128xf32, #tpu.memory_space<hbm>>
    %dma_wait3A_539 = arith.constant 0 : i32
    %dma_wait3A_540 = arith.constant 0 : i32
    %dma_wait3A_541 = tpu.memref_slice %arg6[%dma_wait3A_525, %dma_wait3A_539, %dma_wait3A_540] : memref<6x128x128xf32, #tpu.memory_space<vmem>> -> memref<1x128x128xf32, #tpu.memory_space<vmem>>
    %dma_wait3A_542 = tpu.memref_squeeze %dma_wait3A_541 : memref<1x128x128xf32, #tpu.memory_space<vmem>> -> memref<128x128xf32, #tpu.memory_space<vmem>>
    tpu.wait_dma2 semaphore(%dma_wait3A_535 : memref<!tpu.dma_semaphore, #tpu.memory_space<semaphore_mem>>) src(%dma_wait3A_542 : memref<128x128xf32, #tpu.memory_space<vmem>>) dst(%dma_wait3A_538 : memref<128x128xf32, #tpu.memory_space<hbm>>)
    return
  }
}

</mosaic_0001>

<sc_bundles>
// kernel: kernel.3.cloned.1.call-start
scs
__scs_entry_jumppad:
0x0: {  	(pc) =	sbr.rel $0x88, $3  }
0x1: {  	(tag) =	ssettag $0x0;
	lr =	simm.s32 $0x1  }
0x2: {  	[smem:$0x3F9F] =	sst lr;
	_ =	strace $0xD0000000  }
0x3: {  	_ = 	snop  }
0x4: {  	_ = 	snop  }
0x5: {  	_ = 	snop  }
0x6: {  	_ = 	snop  }
0x7: {  	_ = 	snop  }
__scs_overlays_trampoline_lowered:
0x8: {  	[smem:$0x3FAE] =	sst s0  }
0x9: {  	[smem:$0x3FAF] =	sst s1  }
0xa: {  	[smem:$0x3FB0] =	sst s2  }
0xb: {  	[smem:$0x3FB1] =	sst s3  }
0xc: {  	[smem:$0x3FB2] =	sst s4  }
0xd: {  	[smem:$0x3FB3] =	sst s5  }
0xe: {  	[smem:$0x3FB4] =	sst s6  }
0xf: {  	[smem:$0x3FB5] =	sst s7  }
0x10: {  	[smem:$0x3FB6] =	sst s8  }
0x11: {  	[smem:$0x3FB7] =	sst s9;
	s0 =	simm.s32 @!p0 $0x0  }
0x12: {  	s1 =	sld [smem:$0x3F9D];
	s0 =	simm.s32 @p0 $0x1  }
0x13: {  	[smem:$0x3FB8] =	sst s0;
	s0 =	simm.s32 @!p1 $0x0  }
0x14: {  	s2 =	sld [smem:$0x3F9C];
	s0 =	simm.s32 @p1 $0x1  }
0x15: {  	[smem:$0x3FB9] =	sst s0;
	s0 =	simm.s32 @!p2 $0x0  }
0x16: {  	s3 =	sld [smem:$0x3FDB];
	s0 =	simm.s32 @p2 $0x1  }
0x17: {  	s4 =	simm.s32 $0x1BF5;
	[smem:$0x3FBB] =	sst s0  }
0x18: {  	s0 =	sld [smem:$0x3F9E];
	_ =	swait.ge [sflag:s4], $0x0  }
0x19: {  	s7 =	sld [smem:$0x3F9F]  }
0x1a: {  	s8 =	sadd.s32 $0xFFFFE003, lr  }
0x1b: {  	s9 =	sadd.s32 $0xFFFFFEF7, lr;
	s5 =	simm.s32 $0xFFFFFFFF;
	p2 =	slt.u32 s8, $0xFFFFF086  }
0x1c: {  	p1 =	slt.u32 s9, $0xF7A;
	s5 =	simm.s32 @!p2 $0x0  }
0x1d: {  	s5 =	simm.s32 @p1 $0x1;
	p0 =	seq.s32 s7, s2  }
0x1e: {  	s7 =	smul.u32 @!p0 $0xF7A, s2;
	p2 =	seq.s32 @!p0 s5, $0x0  }
0x1f: {  	s9 =	smul.u32 $0xF7A, s1;
	s8 =	simm.s32 @!p0 $0x1BF5;
	p2 =	por !p2, p0  }
0x20: {  	[sflag:s8] =	ssyncset.s32 @!p0 $0xFFFFF086;
	s6 =	sadd.s32 @!p0 s3, s7;
	s7 =	simm.s32 @!p0 $0x108  }
0x21: {  	s3 =	sadd.s32 s3, s9;
	s6 =	sadd.s32 @!p0 $0x88, s6;
	s7 =	simm.s32 @p2 $0x1082  }
0x22: {  	[simem:s7], [sflag:s8] =	dma.local @!p0 [hbm:s6], $0xF7A  }
0x23: {  	s9 =	sor.u32 $0xD0000000, s2;
	s6 =	simm.s32 $0x108;
	_ =	swait.ge @!p0 [sflag:s8], $0x0  }
0x24: {  	s3 =	sadd.s32 $0x88, s3;
	s6 =	simm.s32 @!p1 $0x1082;
	[sflag:s4] =	ssyncset.s32 $0xFFFFF086  }
0x25: {  	[simem:s6], [sflag:s4] =	dma.local [hbm:s3], $0xF7A  }
0x26: {  	[smem:$0x3F9F] =	sst s1;
	(tag) =	ssettag s2;
	_ =	strace s9  }
0x27: {  	s1 =	sld [smem:$0x3FAF]  }
0x28: {  	s2 =	sld [smem:$0x3FB0]  }
0x29: {  	s4 =	sld [smem:$0x3FB2]  }
0x2a: {  	p0 =	seq.s32 s5, $0x0;
	s5 =	sld [smem:$0x3FB3]  }
0x2b: {  	s6 =	sld [smem:$0x3FB4]  }
0x2c: {  	s7 =	sld [smem:$0x3FB5]  }
0x2d: {  	s3 =	simm.s32 $0x108;
	s8 =	sld [smem:$0x3FB6]  }
0x2e: {  	s3 =	simm.s32 @!p0 $0x1082;
	s9 =	sld [smem:$0x3FB7]  }
0x2f: {  	lr =	sadd.s32 s0, s3;
	s0 =	sld [smem:$0x3FAE]  }
0x30: {  	s3 =	sld [smem:$0x3FB1]  }
0x31: {  	[smem:$0x3FBA] =	sst s10  }
0x32: {  	s10 =	sld [smem:$0x3FB8];
	_ =	sdelay $0x3  }
0x33: {  	p0 =	seq.s32 s10, $0x1;
	s10 =	sld [smem:$0x3FBA];
	_ =	sdelay $0x3  }
0x34: {  	[smem:$0x3FBA] =	sst s10  }
0x35: {  	s10 =	sld [smem:$0x3FB9];
	_ =	sdelay $0x3  }
0x36: {  	p1 =	seq.s32 s10, $0x1;
	s10 =	sld [smem:$0x3FBA];
	_ =	sdelay $0x3  }
0x37: {  	[smem:$0x3FBA] =	sst s10  }
0x38: {  	s10 =	sld [smem:$0x3FBB]  }
0x39: {  	_ = 	snop;
	(pc) =	sbr.ind lr, $3  }
0x3a: {  	_ = 	snop  }
0x3b: {  	_ = 	snop  }
0x3c: {  	p2 =	seq.s32 s10, $0x1;
	s10 =	sld [smem:$0x3FBA]  }
0x3d: {  	_ =	shalt  }
0x3e: {  	_ =	shalt  }
0x3f: {  	_ =	shalt  }
0x40: {  	_ =	shalt  }
0x41: {  	_ =	shalt  }
0x42: {  	_ =	shalt  }
0x43: {  	_ =	shalt  }
0x44: {  	_ =	shalt  }
0x45: {  	_ =	shalt  }
0x46: {  	_ =	shalt  }
0x47: {  	_ =	shalt  }
0x48: {  	_ =	shalt  }
0x49: {  	_ =	shalt  }
0x4a: {  	_ =	shalt  }
0x4b: {  	_ =	shalt  }
0x4c: {  	_ =	shalt  }
0x4d: {  	_ =	shalt  }
0x4e: {  	_ =	shalt  }
0x4f: {  	_ =	shalt  }
0x50: {  	_ =	shalt  }
0x51: {  	_ =	shalt  }
0x52: {  	_ =	shalt  }
0x53: {  	_ =	shalt  }
0x54: {  	_ =	shalt  }
0x55: {  	_ =	shalt  }
0x56: {  	_ =	shalt  }
0x57: {  	_ =	shalt  }
0x58: {  	_ =	shalt  }
0x59: {  	_ =	shalt  }
0x5a: {  	_ =	shalt  }
0x5b: {  	_ =	shalt  }
0x5c: {  	_ =	shalt  }
0x5d: {  	_ =	shalt  }
0x5e: {  	_ =	shalt  }
0x5f: {  	_ =	shalt  }
0x60: {  	_ =	shalt  }
0x61: {  	_ =	shalt  }
0x62: {  	_ =	shalt  }
0x63: {  	_ =	shalt  }
0x64: {  	_ =	shalt  }
0x65: {  	_ =	shalt  }
0x66: {  	_ =	shalt  }
0x67: {  	_ =	shalt  }
0x68: {  	_ =	shalt  }
0x69: {  	_ =	shalt  }
0x6a: {  	_ =	shalt  }
0x6b: {  	_ =	shalt  }
0x6c: {  	_ =	shalt  }
0x6d: {  	_ =	shalt  }
0x6e: {  	_ =	shalt  }
0x6f: {  	_ =	shalt  }
0x70: {  	_ =	shalt  }
0x71: {  	_ =	shalt  }
0x72: {  	_ =	shalt  }
0x73: {  	_ =	shalt  }
0x74: {  	_ =	shalt  }
0x75: {  	_ =	shalt  }
0x76: {  	_ =	shalt  }
0x77: {  	_ =	shalt  }
0x78: {  	_ =	shalt  }
0x79: {  	_ =	shalt  }
0x7a: {  	_ =	shalt  }
0x7b: {  	_ =	shalt  }
0x7c: {  	_ =	shalt  }
0x7d: {  	_ =	shalt  }
0x7e: {  	_ =	shalt  }
0x7f: {  	_ =	shalt  }
0x80: {  	_ =	shalt  }
0x81: {  	_ =	shalt  }
0x82: {  	_ =	shalt  }
0x83: {  	_ =	shalt  }
0x84: {  	_ =	shalt  }
0x85: {  	_ =	shalt  }
0x86: {  	_ =	shalt  }
0x87: {  	_ =	shalt  }
.Lfunc_end0:
.L_simem_size_0:
called_computation_lowered:
.L_overlay_start_0:
0x88: {  	s2 =	sld [smem:$0x3FD9]  }
0x89: {  	s3 =	sld [smem:$0x3FFE];
	_ =	sdelay $0x1  }
0x8a: {  	s1 =	srdreg.scid  }
0x8b: {  	s0 =	sand.u32 $0x1, s1  }
0x8c: {  	s18 =	sshll.u32 s0, $0xA;
	s2 =	sadd.s32 s3, s2  }
0x8d: {  	s2 =	sadd.s32 s2, s18  }
0x8e: {  	[smem:$0x3FC6] =	sst s2  }
0x8f: {  	_ = 	snop  }
0x90: {  	s2 =	sld [smem:$0x3FC9]  }
0x91: {  	s19 =	sld [smem:$0x3FC8]  }
0x92: {  	s4 =	sld [smem:$0x3FD0];
	(tm) =	ssettm $0x1  }
0x93: {  	s5 =	sld [smem:$0x3FFB];
	_ =	sdelay $0x3  }
0x94: {  	_ =	strace s5  }
0x95: {  	s5 =	sld [smem:$0x3FFC];
	_ =	sdelay $0x3  }
0x96: {  	_ =	strace s5  }
0x97: {  	s5 =	sld [smem:$0x3FFD];
	_ =	sdelay $0x3  }
0x98: {  	_ =	strace s5  }
0x99: {  	_ =	strace $0x8FFFFFFF  }
0x9a: {  	s20 =	sld [smem:$0x3FDB];
	_ =	sdelay $0x1  }
0x9b: {  	s6 =	simm.s32 $_scs_section_size  }
0x9c: {  	s7 =	simm.s32 $_size__tile_overlayer_lowered;
	s8 =	simm.s32 $_tile_overlayer_lowered  }
0x9d: {  	s23 =	simm.s32 $0x1BFF;
	s22 =	sshll.u32 s8, $0x1;
	s5 =	sadd.s32 s6, s20  }
0x9e: {  	s9 =	simm.s32 $0x0;
	s21 =	sshll.u32 s7, $0x1;
	s7 =	sadd.s32 s22, s5  }
0x9f: {  	[timem:s9], [sflag:s23] =	dma.local [hbm:s7], s21  }
0xa0: {  	_ =	swait.ge [sflag:s23], s21  }
0xa1: {  	s6 =	ssub.s32 $0x0, s21;
	[sflag:s23] =	ssyncset.done $0x0  }
0xa2: {  	[sflag:s23] =	ssyncadd.s32 s6;
	_ =	sdelay $0x1  }
0xa3: {  	s24 =	simm.s32 $0x1B8B  }
0xa4: {  	_ =	swait.ge [sflag:s24], $0x1  }
0xa5: {  	[sflag:s24] =	ssyncset.done $0x0  }
0xa6: {  	s25 =	simm.s32 $0x1B8E;
	[sflag:s24] =	ssyncadd.s32 $0xFFFFFFFF  }
0xa7: {  	s26 =	simm.s32 $execute0_lowered;
	[smem:$0x3FD2] =	sst s25  }
0xa8: {  	s6 =	sshll.u32 s26, $0x1;
	_ =	strace $0x80000046;
	[dreg:$0x1] =	wrdreg $0xFFFFFFFF  }
0xa9: {  	s28 =	simm.s32 $_size_execute0_lowered;
	s5 =	sadd.s32 s5, s6;
	[dreg:$0x0] =	wrdreg $0x0  }
0xaa: {  	s6 =	sshll.u32 s28, $0x1;
	[dreg:$0x2] =	wrdreg s5  }
0xab: {  	[dreg:$0x3] =	wrdreg s6  }
0xac: {  	[dreg:$0x4] =	wrdreg $0xC0  }
0xad: {  	_ =	task [dreg:s9], $0x5FFFF  }
0xae: {  	[dreg:$0x1] =	wrdreg $0xFFFFFFFF  }
0xaf: {  	[dreg:$0x0] =	wrdreg $0x60  }
0xb0: {  	[dreg:$0x2] =	wrdreg s2  }
0xb1: {  	[dreg:$0x3] =	wrdreg s19  }
0xb2: {  	[dreg:$0x4] =	wrdreg s4  }
0xb3: {  	[dreg:$0x5] =	wrdreg $0x9  }
0xb4: {  	_ =	task.clear_ibuf [dreg:s9], $0x6FFFF;
	_ =	strace $0x90000046  }
0xb5: {  	s29 =	simm.s32 $0x9;
	_ =	strace $0x80000048  }
0xb6: {  	_ =	swait.ge [sflag:s29], $0x1  }
0xb7: {  	[sflag:s29] =	ssyncadd.s32 $0xFFFFFFFF  }
0xb8: {  	_ =	strace $0x90000048  }
0xb9: {  	_ =	sfence  }
0xba: {  	s30 =	sld [smem:$0x0];
	_ =	sdelay $0x2  }
0xbb: {  	s31 =	sshll.u32 s1, $0xD;
	s1 =	sshrl.u32 s1, $0x2  }
0xbc: {  	s3 =	sand.u32 $0x4000, s31;
	s1 =	sadd.s32 s1, s30  }
0xbd: {  	s0 =	sor.u32 s3, s0;
	s1 =	sshll.u32 s1, $0x11  }
0xbe: {  	s0 =	sor.u32 s1, s0  }
0xbf: {  	s0 =	sadd.s32 $0x8F2B, s0  }
0xc0: {  	[sflag:s0] =	ssyncadd.remote.s32 $0x1  }
0xc1: {  	_ =	sfence.sel $0xFFFF  }
0xc2: {  	[dreg:$0x0] =	wrdreg $0xFFFFFFFF;
	(pc) =	sbr.abs _section_cstart, $3  }
0xc3: {  	[dreg:$0x1] =	wrdreg $0xFFFFFFFF  }
0xc4: {  	_ =	task.clear_ibuf [dreg:s9], $0x2FFFF;
	_ =	strace $0x9FFFFFFF  }
0xc5: {  	(tm) =	ssettm $0x7FFFFFFF  }
tec
execute0_lowered:
.L_overlay_start_1:
0x0: {  	(tag) =	ssettag $0x1  }
0x1: {  	s0 =	rddreg [dreg:$0x0]  }
0x2: {  	s3 =	rddreg [dreg:$0x1]  }
0x3: {  	s1 =	rddreg [dreg:$0x2]  }
0x4: {  	s6 =	stileid.u32;
	s4 =	srdreg.scid  }
0x5: {  	s2 =	simm.s32 $0x0;
	s25 =	simm.s32 $0x200;
	s29 =	simm.s32 $0xD  }
0x6: {  	s30 =	simm.s32 $0x100;
	s31 =	simm.s32 $0x180;
	s9 =	simm.s32 $0x1  }
0x7: {  	s28 =	simm.s32 $0x280;
	s26 =	simm.s32 $0x300;
	s24 =	simm.s32 $0x3  }
0x8: {  	s23 =	simm.s32 $0x380;
	s22 =	simm.s32 $0x4;
	p0 =	por $0x0, $0x0  }
0x9: {  	s11 =	simm.s32 $0xB;
	s10 =	simm.s32 $0xC;
	s5 =	sshll.u32 s6, $0x1  }
0xa: {  	s4 =	sand.u32 $0x1, s4;
	[smem:$0x7FF] =	sst s2;
	s6 =	sshrl.u32 s6, $0x2  }
0xb: {  	s5 =	sand.u32 $0x6, s5;
	s8 =	sshll.u32 s6, $0x4;
	s6 =	sshll.u32 s6, $0x11  }
0xc: {  	_ =	strace $0x80000047;
	s17 =	ssub.s32 $0x2, s4;
	s5 =	sor.u32 s4, s5  }
0xd: {  	s0 =	sadd.s32 s0, s8;
	s7 =	sshll.u32 s5, $0xE;
	s5 =	sshll.u32 s5, $0x9  }
0xe: {  	s4 =	sshrl.u32 s17, $0x1;
	s6 =	sor.u32 s6, s7;
	s0 =	sadd.s32 s5, s0  }
0xf: {  	s15 =	sadd.s32 s1, s6;
	[dreg:$0x4] =	wrdreg s0;
	s1 =	ssub.s32 s17, s4  }
0x10: {  	s12 =	sadd.s32 $0x800, s15;
	s21 =	smax.u32 s1, $0x1;
	s1 =	rddreg [dreg:$0x4]  }
0x11: {  	s8 =	simm.s32 $0x2;
	s13 =	sadd.s32 $0x1000, s15;
	[dreg:$0x5] =	wrdreg s12  }
0x12: {  	s7 =	simm.s32 $0x400;
	s14 =	sadd.s32 $0x1800, s15;
	[dreg:$0x6] =	wrdreg s13  }
0x13: {  	s5 =	simm.s32 $0x8;
	s16 =	sadd.s32 $0x2000, s15;
	[dreg:$0x7] =	wrdreg s14  }
0x14: {  	s17 =	simm.s32 $0x80;
	s18 =	sadd.s32 $0x2800, s15;
	[dreg:$0x8] =	wrdreg s16  }
0x15: {  	s19 =	sadd.s32 $0x3000, s15;
	[dreg:$0x9] =	wrdreg s18;
	p1 =	sne.s32 s21, $0x1  }
.Ltmp0:
0x16: {  	s20 =	sadd.s32 $0x3800, s15;
	[dreg:$0xa] =	wrdreg s19;
	(pc) =	sbr.rel @!p1 .LBB2_3-.Ltmp0, $4  }
0x17: {  	s6 =	simm.s32 $0x4400;
	s4 =	simm.s32 $0x7;
	[dreg:$0xb] =	wrdreg s20  }
0x18: {  	s19 =	simm.s32 $0x8400;
	s18 =	simm.s32 $0xC400;
	s16 =	simm.s32 $0x10400  }
0x19: {  	s13 =	simm.s32 $0x14400;
	s0 =	sadd.s32 $0xFFFFFFFF, s21;
	s21 =	simm.s32 $0x5  }
0x1a: {  	s20 =	simm.s32 $0x6;
	s14 =	simm.s32 $0x9;
	s12 =	simm.s32 $0xA  }
0x1b: {  	[tilespmem:s2], [sflag:$0xD] =	stream.strided.gather [hbm4b:s1+s17], $0x400, s25, s17, $0x38;
	[tilespmem:$0x18400] =	vst v63  }
0x1c: {  	_ =	swait.ge [sflag:s29], $0x400  }
0x1d: {  	[sflag:s29] =	ssyncset.done $0x0  }
0x1e: {  	[sflag:s29] =	ssyncadd.s32 $0xFFFFFC00  }
0x1f: {  	[tilespmem:s7], [sflag:$0x1] =	stream.indirect.gather [hbm4b:s3+s17], $0x80, s2, s17, $0xb8;
	[tilespmem:$0x18400] =	vst v63  }
0x20: {  	_ = 	snop  }
0x21: {  	[tilespmem:s6], [sflag:$0x2] =	stream.indirect.gather [hbm4b:s3+s17], $0x80, s17, s17, $0xb8;
	[tilespmem:$0x18400] =	vst v63  }
0x22: {  	_ = 	snop  }
0x23: {  	[tilespmem:s19], [sflag:$0x3] =	stream.indirect.gather [hbm4b:s3+s17], $0x80, s30, s17, $0xb8;
	[tilespmem:$0x18400] =	vst v63  }
0x24: {  	_ = 	snop  }
0x25: {  	[tilespmem:s18], [sflag:$0x4] =	stream.indirect.gather [hbm4b:s3+s17], $0x80, s31, s17, $0xb8;
	[tilespmem:$0x18400] =	vst v63  }
0x26: {  	_ = 	snop  }
0x27: {  	[tilespmem:s16], [sflag:$0x5] =	stream.indirect.gather [hbm4b:s3+s17], $0x80, s25, s17, $0xb8;
	[tilespmem:$0x18400] =	vst v63  }
0x28: {  	_ =	swait.ge [sflag:s9], $0x4000  }
0x29: {  	[sflag:s9] =	ssyncset.done $0x0  }
0x2a: {  	[sflag:s9] =	ssyncadd.s32 $0xFFFFC000  }
0x2b: {  	[hbm4b:s15+s2] =	stream.linear.scatter [tilespmem:s7], [sflag:$0x7], $0x4000, $0x38;
	[tilespmem:$0x18400] =	vst v63  }
0x2c: {  	_ = 	snop  }
0x2d: {  	[tilespmem:s13], [sflag:$0x6] =	stream.indirect.gather [hbm4b:s3+s17], $0x80, s28, s17, $0xb8;
	[tilespmem:$0x18400] =	vst v63  }
0x2e: {  	_ =	swait.ge [sflag:s8], $0x4000  }
0x2f: {  	[sflag:s8] =	ssyncset.done $0x0  }
0x30: {  	s1 =	rddreg [dreg:$0x5];
	[sflag:s8] =	ssyncadd.s32 $0xFFFFC000  }
0x31: {  	[hbm4b:s1+s2] =	stream.linear.scatter [tilespmem:s6], [sflag:$0x8], $0x4000, $0x38;
	[tilespmem:$0x18400] =	vst v63  }
0x32: {  	_ =	swait.ge [sflag:s4], $0x4000  }
0x33: {  	[sflag:s4] =	ssyncset.done $0x0  }
0x34: {  	[sflag:s4] =	ssyncadd.s32 $0xFFFFC000  }
0x35: {  	[tilespmem:s7], [sflag:$0x1] =	stream.indirect.gather [hbm4b:s3+s17], $0x80, s26, s17, $0xb8;
	[tilespmem:$0x18400] =	vst v63  }
0x36: {  	_ =	swait.ge [sflag:s24], $0x4000  }
0x37: {  	[sflag:s24] =	ssyncset.done $0x0  }
0x38: {  	s1 =	rddreg [dreg:$0x6];
	[sflag:s24] =	ssyncadd.s32 $0xFFFFC000  }
0x39: {  	[hbm4b:s1+s2] =	stream.linear.scatter [tilespmem:s19], [sflag:$0x9], $0x4000, $0x38;
	[tilespmem:$0x18400] =	vst v63  }
0x3a: {  	_ =	swait.ge [sflag:s5], $0x4000  }
0x3b: {  	[sflag:s5] =	ssyncset.done $0x0  }
0x3c: {  	[sflag:s5] =	ssyncadd.s32 $0xFFFFC000  }
0x3d: {  	[tilespmem:s6], [sflag:$0x2] =	stream.indirect.gather [hbm4b:s3+s17], $0x80, s23, s17, $0xb8;
	[tilespmem:$0x18400] =	vst v63  }
0x3e: {  	_ =	swait.ge [sflag:s22], $0x4000  }
0x3f: {  	[sflag:s22] =	ssyncset.done $0x0  }
0x40: {  	s1 =	rddreg [dreg:$0x7];
	[sflag:s22] =	ssyncadd.s32 $0xFFFFC000  }
0x41: {  	[hbm4b:s1+s2] =	stream.linear.scatter [tilespmem:s18], [sflag:$0xA], $0x4000, $0x38;
	[tilespmem:$0x18400] =	vst v63  }
0x42: {  	_ =	swait.ge [sflag:s21], $0x4000  }
0x43: {  	[sflag:s21] =	ssyncset.done $0x0  }
0x44: {  	s1 =	rddreg [dreg:$0x8];
	[sflag:s21] =	ssyncadd.s32 $0xFFFFC000  }
0x45: {  	[hbm4b:s1+s2] =	stream.linear.scatter [tilespmem:s16], [sflag:$0xB], $0x4000, $0x38;
	[tilespmem:$0x18400] =	vst v63  }
0x46: {  	_ =	swait.ge [sflag:s20], $0x4000  }
0x47: {  	[sflag:s20] =	ssyncset.done $0x0  }
0x48: {  	s1 =	rddreg [dreg:$0x9];
	[sflag:s20] =	ssyncadd.s32 $0xFFFFC000  }
0x49: {  	[hbm4b:s1+s2] =	stream.linear.scatter [tilespmem:s13], [sflag:$0xC], $0x4000, $0x38;
	[tilespmem:$0x18400] =	vst v63  }
0x4a: {  	_ =	swait.ge [sflag:s9], $0x4000  }
0x4b: {  	[sflag:s9] =	ssyncset.done $0x0  }
0x4c: {  	s1 =	rddreg [dreg:$0xa];
	[sflag:s9] =	ssyncadd.s32 $0xFFFFC000  }
0x4d: {  	[hbm4b:s1+s2] =	stream.linear.scatter [tilespmem:s7], [sflag:$0x7], $0x4000, $0x38;
	[tilespmem:$0x18400] =	vst v63  }
0x4e: {  	_ =	swait.ge [sflag:s8], $0x4000  }
0x4f: {  	[sflag:s8] =	ssyncset.done $0x0  }
0x50: {  	s1 =	rddreg [dreg:$0xb];
	[sflag:s8] =	ssyncadd.s32 $0xFFFFC000  }
0x51: {  	[hbm4b:s1+s2] =	stream.linear.scatter [tilespmem:s6], [sflag:$0x8], $0x4000, $0x38;
	[tilespmem:$0x18400] =	vst v63  }
0x52: {  	_ =	swait.ge [sflag:s14], $0x4000  }
0x53: {  	[sflag:s14] =	ssyncset.done $0x0  }
0x54: {  	[sflag:s14] =	ssyncadd.s32 $0xFFFFC000  }
0x55: {  	_ =	swait.ge [sflag:s12], $0x4000  }
0x56: {  	[sflag:s12] =	ssyncset.done $0x0  }
0x57: {  	[sflag:s12] =	ssyncadd.s32 $0xFFFFC000  }
0x58: {  	_ =	swait.ge [sflag:s11], $0x4000  }
0x59: {  	[sflag:s11] =	ssyncset.done $0x0  }
0x5a: {  	[sflag:s11] =	ssyncadd.s32 $0xFFFFC000  }
0x5b: {  	_ =	swait.ge [sflag:s10], $0x4000  }
0x5c: {  	[sflag:s10] =	ssyncset.done $0x0  }
0x5d: {  	p1 =	sne.s32 s0, $0x1;
	[sflag:s10] =	ssyncadd.s32 $0xFFFFC000  }
.Ltmp1:
0x5e: {  	_ =	swait.ge [sflag:s4], $0x4000;
	(pc) =	sbr.rel @!p1 .LBB2_3-.Ltmp1, $4  }
0x5f: {  	[sflag:s4] =	ssyncset.done $0x0  }
0x60: {  	[sflag:s4] =	ssyncadd.s32 $0xFFFFC000  }
0x61: {  	s0 =	sadd.s32 $0xFFFFFFFF, s0;
	_ =	swait.ge [sflag:s5], $0x4000  }
0x62: {  	p0 =	por $0x1, $0x1;
	s1 =	rddreg [dreg:$0x4];
	[sflag:s5] =	ssyncset.done $0x0  }
.LBB2_2:
0x63: {  	[sflag:s5] =	ssyncadd.s32 $0xFFFFC000  }
0x64: {  	[tilespmem:s2], [sflag:$0xD] =	stream.strided.gather [hbm4b:s1+s17], $0x400, s25, s17, $0x38;
	[tilespmem:$0x18400] =	vst v63  }
0x65: {  	_ =	swait.ge [sflag:s29], $0x400  }
0x66: {  	[sflag:s29] =	ssyncset.done $0x0  }
0x67: {  	[sflag:s29] =	ssyncadd.s32 $0xFFFFFC00  }
0x68: {  	[tilespmem:s7], [sflag:$0x1] =	stream.indirect.gather [hbm4b:s3+s17], $0x80, s2, s17, $0xb8;
	[tilespmem:$0x18400] =	vst v63  }
0x69: {  	_ = 	snop  }
0x6a: {  	[tilespmem:s6], [sflag:$0x2] =	stream.indirect.gather [hbm4b:s3+s17], $0x80, s17, s17, $0xb8;
	[tilespmem:$0x18400] =	vst v63  }
0x6b: {  	_ = 	snop  }
0x6c: {  	[tilespmem:s19], [sflag:$0x3] =	stream.indirect.gather [hbm4b:s3+s17], $0x80, s30, s17, $0xb8;
	[tilespmem:$0x18400] =	vst v63  }
0x6d: {  	_ = 	snop  }
0x6e: {  	[tilespmem:s18], [sflag:$0x4] =	stream.indirect.gather [hbm4b:s3+s17], $0x80, s31, s17, $0xb8;
	[tilespmem:$0x18400] =	vst v63  }
0x6f: {  	_ = 	snop  }
0x70: {  	[tilespmem:s16], [sflag:$0x5] =	stream.indirect.gather [hbm4b:s3+s17], $0x80, s25, s17, $0xb8;
	[tilespmem:$0x18400] =	vst v63  }
0x71: {  	_ =	swait.ge [sflag:s9], $0x4000  }
0x72: {  	[sflag:s9] =	ssyncset.done $0x0  }
0x73: {  	[sflag:s9] =	ssyncadd.s32 $0xFFFFC000  }
0x74: {  	[hbm4b:s15+s2] =	stream.linear.scatter [tilespmem:s7], [sflag:$0x7], $0x4000, $0x38;
	[tilespmem:$0x18400] =	vst v63  }
0x75: {  	_ = 	snop  }
0x76: {  	[tilespmem:s13], [sflag:$0x6] =	stream.indirect.gather [hbm4b:s3+s17], $0x80, s28, s17, $0xb8;
	[tilespmem:$0x18400] =	vst v63  }
0x77: {  	_ =	swait.ge [sflag:s8], $0x4000  }
0x78: {  	[sflag:s8] =	ssyncset.done $0x0  }
0x79: {  	s1 =	rddreg [dreg:$0x5];
	[sflag:s8] =	ssyncadd.s32 $0xFFFFC000  }
0x7a: {  	[hbm4b:s1+s2] =	stream.linear.scatter [tilespmem:s6], [sflag:$0x8], $0x4000, $0x38;
	[tilespmem:$0x18400] =	vst v63  }
0x7b: {  	_ =	swait.ge [sflag:s4], $0x4000  }
0x7c: {  	[sflag:s4] =	ssyncset.done $0x0  }
0x7d: {  	[sflag:s4] =	ssyncadd.s32 $0xFFFFC000  }
0x7e: {  	[tilespmem:s7], [sflag:$0x1] =	stream.indirect.gather [hbm4b:s3+s17], $0x80, s26, s17, $0xb8;
	[tilespmem:$0x18400] =	vst v63  }
0x7f: {  	_ =	swait.ge [sflag:s24], $0x4000  }
0x80: {  	[sflag:s24] =	ssyncset.done $0x0  }
0x81: {  	s1 =	rddreg [dreg:$0x6];
	[sflag:s24] =	ssyncadd.s32 $0xFFFFC000  }
0x82: {  	[hbm4b:s1+s2] =	stream.linear.scatter [tilespmem:s19], [sflag:$0x9], $0x4000, $0x38;
	[tilespmem:$0x18400] =	vst v63  }
0x83: {  	_ =	swait.ge [sflag:s5], $0x4000  }
0x84: {  	[sflag:s5] =	ssyncset.done $0x0  }
0x85: {  	[sflag:s5] =	ssyncadd.s32 $0xFFFFC000  }
0x86: {  	[tilespmem:s6], [sflag:$0x2] =	stream.indirect.gather [hbm4b:s3+s17], $0x80, s23, s17, $0xb8;
	[tilespmem:$0x18400] =	vst v63  }
0x87: {  	_ =	swait.ge [sflag:s22], $0x4000  }
0x88: {  	[sflag:s22] =	ssyncset.done $0x0  }
0x89: {  	s1 =	rddreg [dreg:$0x7];
	[sflag:s22] =	ssyncadd.s32 $0xFFFFC000  }
0x8a: {  	[hbm4b:s1+s2] =	stream.linear.scatter [tilespmem:s18], [sflag:$0xA], $0x4000, $0x38;
	[tilespmem:$0x18400] =	vst v63  }
0x8b: {  	_ =	swait.ge [sflag:s21], $0x4000  }
0x8c: {  	[sflag:s21] =	ssyncset.done $0x0  }
0x8d: {  	s1 =	rddreg [dreg:$0x8];
	[sflag:s21] =	ssyncadd.s32 $0xFFFFC000  }
0x8e: {  	[hbm4b:s1+s2] =	stream.linear.scatter [tilespmem:s16], [sflag:$0xB], $0x4000, $0x38;
	[tilespmem:$0x18400] =	vst v63  }
0x8f: {  	_ =	swait.ge [sflag:s20], $0x4000  }
0x90: {  	[sflag:s20] =	ssyncset.done $0x0  }
0x91: {  	s1 =	rddreg [dreg:$0x9];
	[sflag:s20] =	ssyncadd.s32 $0xFFFFC000  }
0x92: {  	[hbm4b:s1+s2] =	stream.linear.scatter [tilespmem:s13], [sflag:$0xC], $0x4000, $0x38;
	[tilespmem:$0x18400] =	vst v63  }
0x93: {  	_ =	swait.ge [sflag:s9], $0x4000  }
0x94: {  	[sflag:s9] =	ssyncset.done $0x0  }
0x95: {  	s1 =	rddreg [dreg:$0xa];
	[sflag:s9] =	ssyncadd.s32 $0xFFFFC000  }
0x96: {  	[hbm4b:s1+s2] =	stream.linear.scatter [tilespmem:s7], [sflag:$0x7], $0x4000, $0x38;
	[tilespmem:$0x18400] =	vst v63  }
0x97: {  	_ =	swait.ge [sflag:s8], $0x4000  }
0x98: {  	[sflag:s8] =	ssyncset.done $0x0  }
0x99: {  	s1 =	rddreg [dreg:$0xb];
	[sflag:s8] =	ssyncadd.s32 $0xFFFFC000  }
0x9a: {  	[hbm4b:s1+s2] =	stream.linear.scatter [tilespmem:s6], [sflag:$0x8], $0x4000, $0x38;
	[tilespmem:$0x18400] =	vst v63  }
0x9b: {  	_ =	swait.ge [sflag:s14], $0x4000  }
0x9c: {  	[sflag:s14] =	ssyncset.done $0x0  }
0x9d: {  	[sflag:s14] =	ssyncadd.s32 $0xFFFFC000  }
0x9e: {  	_ =	swait.ge [sflag:s12], $0x4000  }
0x9f: {  	[sflag:s12] =	ssyncset.done $0x0  }
0xa0: {  	[sflag:s12] =	ssyncadd.s32 $0xFFFFC000  }
0xa1: {  	_ =	swait.ge [sflag:s11], $0x4000  }
0xa2: {  	[sflag:s11] =	ssyncset.done $0x0  }
0xa3: {  	[sflag:s11] =	ssyncadd.s32 $0xFFFFC000  }
0xa4: {  	_ =	swait.ge [sflag:s10], $0x4000  }
0xa5: {  	[sflag:s10] =	ssyncset.done $0x0  }
0xa6: {  	p1 =	sne.s32 s0, $0x1;
	[sflag:s10] =	ssyncadd.s32 $0xFFFFC000  }
.Ltmp2:
0xa7: {  	_ =	swait.ge [sflag:s4], $0x4000;
	(pc) =	sbr.rel @p1 .LBB2_2-.Ltmp2, $4  }
0xa8: {  	[sflag:s4] =	ssyncset.done $0x0  }
0xa9: {  	[sflag:s4] =	ssyncadd.s32 $0xFFFFC000  }
0xaa: {  	_ =	swait.ge [sflag:s5], $0x4000  }
0xab: {  	s0 =	sadd.s32 $0xFFFFFFFF, s0;
	s1 =	rddreg [dreg:$0x4];
	[sflag:s5] =	ssyncset.done $0x0  }
.LBB2_3:
0xac: {  	[sflag:s5] =	ssyncadd.s32 @p0 $0xFFFFC000  }
0xad: {  	[tilespmem:s2], [sflag:$0xD] =	stream.strided.gather [hbm4b:s1+s17], $0x400, s25, s17, $0x38;
	[tilespmem:$0x18400] =	vst v63  }
0xae: {  	_ =	swait.ge [sflag:s29], $0x400  }
0xaf: {  	[sflag:s29] =	ssyncset.done $0x0  }
0xb0: {  	[sflag:s29] =	ssyncadd.s32 $0xFFFFFC00  }
0xb1: {  	[tilespmem:s7], [sflag:$0x1] =	stream.indirect.gather [hbm4b:s3+s17], $0x80, s2, s17, $0xb8;
	[tilespmem:$0x18400] =	vst v63  }
0xb2: {  	_ = 	snop  }
0xb3: {  	[tilespmem:s6], [sflag:$0x2] =	stream.indirect.gather [hbm4b:s3+s17], $0x80, s17, s17, $0xb8;
	[tilespmem:$0x18400] =	vst v63  }
0xb4: {  	_ = 	snop  }
0xb5: {  	[tilespmem:s19], [sflag:$0x3] =	stream.indirect.gather [hbm4b:s3+s17], $0x80, s30, s17, $0xb8;
	[tilespmem:$0x18400] =	vst v63  }
0xb6: {  	_ = 	snop  }
0xb7: {  	[tilespmem:s18], [sflag:$0x4] =	stream.indirect.gather [hbm4b:s3+s17], $0x80, s31, s17, $0xb8;
	[tilespmem:$0x18400] =	vst v63  }
0xb8: {  	_ = 	snop  }
0xb9: {  	[tilespmem:s16], [sflag:$0x5] =	stream.indirect.gather [hbm4b:s3+s17], $0x80, s25, s17, $0xb8;
	[tilespmem:$0x18400] =	vst v63  }
0xba: {  	_ =	swait.ge [sflag:s9], $0x4000  }
0xbb: {  	[sflag:s9] =	ssyncset.done $0x0  }
0xbc: {  	[sflag:s9] =	ssyncadd.s32 $0xFFFFC000  }
0xbd: {  	[hbm4b:s15+s2] =	stream.linear.scatter [tilespmem:s7], [sflag:$0x7], $0x4000, $0x38;
	[tilespmem:$0x18400] =	vst v63  }
0xbe: {  	_ = 	snop  }
0xbf: {  	[tilespmem:s13], [sflag:$0x6] =	stream.indirect.gather [hbm4b:s3+s17], $0x80, s28, s17, $0xb8;
	[tilespmem:$0x18400] =	vst v63  }
0xc0: {  	_ =	swait.ge [sflag:s8], $0x4000  }
0xc1: {  	[sflag:s8] =	ssyncset.done $0x0  }
0xc2: {  	s0 =	rddreg [dreg:$0x5];
	[sflag:s8] =	ssyncadd.s32 $0xFFFFC000  }
0xc3: {  	[hbm4b:s0+s2] =	stream.linear.scatter [tilespmem:s6], [sflag:$0x8], $0x4000, $0x38;
	[tilespmem:$0x18400] =	vst v63  }
0xc4: {  	_ =	swait.ge [sflag:s4], $0x4000  }
0xc5: {  	[sflag:s4] =	ssyncset.done $0x0  }
0xc6: {  	[sflag:s4] =	ssyncadd.s32 $0xFFFFC000  }
0xc7: {  	[tilespmem:s7], [sflag:$0x1] =	stream.indirect.gather [hbm4b:s3+s17], $0x80, s26, s17, $0xb8;
	[tilespmem:$0x18400] =	vst v63  }
0xc8: {  	_ =	swait.ge [sflag:s24], $0x4000  }
0xc9: {  	[sflag:s24] =	ssyncset.done $0x0  }
0xca: {  	s15 =	rddreg [dreg:$0x6];
	[sflag:s24] =	ssyncadd.s32 $0xFFFFC000  }
0xcb: {  	[hbm4b:s15+s2] =	stream.linear.scatter [tilespmem:s19], [sflag:$0x9], $0x4000, $0x38;
	[tilespmem:$0x18400] =	vst v63  }
0xcc: {  	_ =	swait.ge [sflag:s5], $0x4000  }
0xcd: {  	[sflag:s5] =	ssyncset.done $0x0  }
0xce: {  	[sflag:s5] =	ssyncadd.s32 $0xFFFFC000  }
0xcf: {  	[tilespmem:s6], [sflag:$0x2] =	stream.indirect.gather [hbm4b:s3+s17], $0x80, s23, s17, $0xb8;
	[tilespmem:$0x18400] =	vst v63  }
0xd0: {  	_ =	swait.ge [sflag:s22], $0x4000  }
0xd1: {  	[sflag:s22] =	ssyncset.done $0x0  }
0xd2: {  	s25 =	rddreg [dreg:$0x7];
	[sflag:s22] =	ssyncadd.s32 $0xFFFFC000  }
0xd3: {  	[hbm4b:s25+s2] =	stream.linear.scatter [tilespmem:s18], [sflag:$0xA], $0x4000, $0x38;
	[tilespmem:$0x18400] =	vst v63  }
0xd4: {  	_ =	swait.ge [sflag:s21], $0x4000  }
0xd5: {  	[sflag:s21] =	ssyncset.done $0x0  }
0xd6: {  	s26 =	rddreg [dreg:$0x8];
	[sflag:s21] =	ssyncadd.s32 $0xFFFFC000  }
0xd7: {  	[hbm4b:s26+s2] =	stream.linear.scatter [tilespmem:s16], [sflag:$0xB], $0x4000, $0x38;
	[tilespmem:$0x18400] =	vst v63  }
0xd8: {  	_ =	swait.ge [sflag:s20], $0x4000  }
0xd9: {  	[sflag:s20] =	ssyncset.done $0x0  }
0xda: {  	s28 =	rddreg [dreg:$0x9];
	[sflag:s20] =	ssyncadd.s32 $0xFFFFC000  }
0xdb: {  	[hbm4b:s28+s2] =	stream.linear.scatter [tilespmem:s13], [sflag:$0xC], $0x4000, $0x38;
	[tilespmem:$0x18400] =	vst v63  }
0xdc: {  	_ =	swait.ge [sflag:s9], $0x4000  }
0xdd: {  	[sflag:s9] =	ssyncset.done $0x0  }
0xde: {  	s29 =	rddreg [dreg:$0xa];
	[sflag:s9] =	ssyncadd.s32 $0xFFFFC000  }
0xdf: {  	[hbm4b:s29+s2] =	stream.linear.scatter [tilespmem:s7], [sflag:$0x7], $0x4000, $0x38;
	[tilespmem:$0x18400] =	vst v63  }
0xe0: {  	_ =	swait.ge [sflag:s8], $0x4000  }
0xe1: {  	[sflag:s8] =	ssyncset.done $0x0  }
0xe2: {  	s30 =	rddreg [dreg:$0xb];
	[sflag:s8] =	ssyncadd.s32 $0xFFFFC000  }
0xe3: {  	[hbm4b:s30+s2] =	stream.linear.scatter [tilespmem:s6], [sflag:$0x8], $0x4000, $0x38;
	[tilespmem:$0x18400] =	vst v63  }
0xe4: {  	_ =	swait.ge [sflag:s14], $0x4000  }
0xe5: {  	[sflag:s14] =	ssyncset.done $0x0  }
0xe6: {  	[sflag:s14] =	ssyncadd.s32 $0xFFFFC000  }
0xe7: {  	_ =	swait.ge [sflag:s12], $0x4000  }
0xe8: {  	[sflag:s12] =	ssyncset.done $0x0  }
0xe9: {  	[sflag:s12] =	ssyncadd.s32 $0xFFFFC000  }
0xea: {  	_ =	swait.ge [sflag:s11], $0x4000  }
0xeb: {  	[sflag:s11] =	ssyncset.done $0x0  }
0xec: {  	[sflag:s11] =	ssyncadd.s32 $0xFFFFC000  }
0xed: {  	_ =	swait.ge [sflag:s10], $0x4000  }
0xee: {  	[sflag:s10] =	ssyncset.done $0x0  }
0xef: {  	[sflag:s10] =	ssyncadd.s32 $0xFFFFC000  }
0xf0: {  	_ =	swait.ge [sflag:s4], $0x4000  }
0xf1: {  	[sflag:s4] =	ssyncset.done $0x0  }
0xf2: {  	[sflag:s4] =	ssyncadd.s32 $0xFFFFC000  }
0xf3: {  	_ =	swait.ge [sflag:s5], $0x4000  }
0xf4: {  	[sflag:s5] =	ssyncset.done $0x0  }
0xf5: {  	[sflag:s5] =	ssyncadd.s32 $0xFFFFC000  }
0xf6: {  	_ =	sfence.sel $0x180000  }
0xf7: {  	[bflag:$0x0] =	sbarrier.arrive $0xFFFF  }
0xf8: {  	_ =	strace $0x90000047  }
0xf9: {  	s31 =	stileid.u32;
	[bflag:$0x2] =	sbarrier.arrive $0xFFFF  }
0xfa: {  	p0 =	sne.s32 s31, $0x0;
	s0 =	rddreg [dreg:$0x3]  }
0xfb: {  	s0 =	sadd.s32 @!p0 $0x100000, s0  }
0xfc: {  	[sflag:s0] =	ssyncadd.tile.s32 @!p0 $0x1;
	_ =	shalt  }
.Lfunc_end2:
_tile_overlayer_lowered:
.L_overlay_start_2:
0xfd: {  	(tag) =	ssettag $0x2  }
0xfe: {  	s0 =	rddreg [dreg:$0x0];
	s2 =	stileid.u32  }
0xff: {  	s1 =	rddreg [dreg:$0x1];
	p0 =	sne.s32 s2, $0x0  }
0x100: {  	s3 =	rddreg [dreg:$0x2];
	[bflag:$0x3] =	sbarrier.arrive $0xFFFF;
	s2 =	simm.s32 @!p0 $0x1C0D  }
0x101: {  	[timem:s3], [sflag:s2] =	dma.local @!p0 [hbm:s0], s1  }
0x102: {  	s0 =	simm.s32 @!p0 $0xD  }
0x103: {  	_ =	swait.ge @!p0 [sflag:s0], s1  }
0x104: {  	s1 =	ssub.s32 @!p0 $0x0, s1;
	[sflag:s0] =	ssyncset.done @!p0 $0x0  }
0x105: {  	[sflag:s0] =	ssyncadd.s32 @!p0 s1  }
0x106: {  	[bflag:$0x3] =	sbarrier.arrive $0xFFFF  }
0x107: {  	_ =	shalt  }

</sc_bundles>
